<compile_context>
chip_gen: v7x
topology: tpu7x:2x2x1
jax: 0.10.2.dev20260603
libtpu: 0.0.44.dev20260713+nightly
codegen_flags: <defaults>
</compile_context>

<pallas_src>
import functools

import jax
import jax.numpy as jnp
from jax import lax
from jax.experimental import pallas as pl
from jax.experimental.pallas import tpu as pltpu
from jax.experimental.pallas import tpu_sc as plsc

_NC, _NS = 2, 16
_NW = _NC * _NS
_B = 4096
_F = 4
_E = 64
_N_IDX = _B * _F
_PER = _N_IDX // _NW
_CH = 128
_NCH = _PER // _CH


def _sc_gather(xi, emb128, lin128):
    mesh = plsc.VectorSubcoreMesh(
        core_axis_name="c", subcore_axis_name="s",
        num_cores=_NC, num_subcores=_NS)

    @functools.partial(
        pl.kernel,
        out_type=(
            jax.ShapeDtypeStruct((_N_IDX, 128), jnp.float32),
            jax.ShapeDtypeStruct((_NW, _PER), jnp.float32),
        ),
        mesh=mesh,
        scratch_types=[
            pltpu.VMEM((_NCH, _CH), jnp.int32),
            pltpu.VMEM((_NCH, _CH), jnp.int32),
            pltpu.VMEM((_CH, 128), jnp.float32),
            pltpu.VMEM((_CH, 128), jnp.float32),
            pltpu.VMEM((_CH, 128), jnp.float32),
            pltpu.VMEM((_CH, 128), jnp.float32),
            pltpu.VMEM((_PER,), jnp.float32),
            pltpu.SemaphoreType.DMA,
            pltpu.SemaphoreType.DMA,
        ],
        compiler_params=pltpu.CompilerParams(
            use_tc_tiling_on_sc=True, needs_layout_passes=False),
    )
    def k(xi_hbm, emb_hbm, lin_hbm, emb_out, lin_out, idx_v, idxl_v,
          st0, st1, ln0, ln1, lv_v, sem_e, sem_l):
        wid = lax.axis_index("s") * _NC + lax.axis_index("c")
        st = (st0, st1)
        ln = (ln0, ln1)
        pltpu.sync_copy(xi_hbm.at[wid], idx_v)
        for j in range(_NCH):
            for kk in range(_CH // 16):
                sl = pl.ds(kk * 16, 16)
                idxl_v[j, sl] = lax.shift_right_logical(idx_v[j, sl], 7)

        iota16 = lax.iota(jnp.int32, 16)

        def enqueue(j):
            return (
                pltpu.async_copy(
                    emb_hbm.at[idx_v.at[j]], st[j % 2], sem_e),
                pltpu.async_copy(
                    lin_hbm.at[idxl_v.at[j]], ln[j % 2], sem_l),
            )

        pending = enqueue(0)
        for j in range(_NCH):
            cur = pending
            if j + 1 < _NCH:
                pending = enqueue(j + 1)
            for c in cur:
                c.wait()
            for g in range(_CH // 16):
                slots = jnp.full((16,), g * 16, jnp.int32) + iota16
                lanes = lax.bitwise_and(idx_v[j, pl.ds(g * 16, 16)], 127)
                lv_v[pl.ds(j * _CH + g * 16, 16)] = plsc.load_gather(
                    ln[j % 2], [slots, lanes])

            pltpu.sync_copy(
                st[j % 2],
                emb_out.at[pl.ds(wid * _PER + j * _CH, _CH)])

        pltpu.sync_copy(lv_v, lin_out.at[wid])

    return k(xi, emb128, lin128)


def _bn_relu(h, g, be):
    mu = jnp.mean(h, axis=0, keepdims=True)
    d = h - mu
    var = jnp.mean(d * d, axis=0, keepdims=True)
    return jnp.maximum(g * d * lax.rsqrt(var + 1e-5) + be, 0.0)


def _dense_body(emb_ref, lin_ref, w1_ref, b1_ref, g1_ref, be1_ref,
                w2_ref, b2_ref, g2_ref, be2_ref, w3_ref, b3_ref,
                bias_ref, out_ref):
    es = [emb_ref[f][:, :_E] for f in range(_F)]
    e0, e1, e2, e3 = es
    s = e0 + e1 + e2 + e3
    sq = s * s - (e0 * e0 + e1 * e1 + e2 * e2 + e3 * e3)
    fm = 0.5 * jnp.sum(sq, axis=1, keepdims=True)
    e = jnp.concatenate(es, axis=1)
    lin = jnp.sum(lin_ref[...], axis=1, keepdims=True) + bias_ref[0, 0]
    h = jnp.dot(e, w1_ref[...], preferred_element_type=jnp.float32)
    h = _bn_relu(h + b1_ref[...], g1_ref[...], be1_ref[...])
    h = jnp.dot(h, w2_ref[...], preferred_element_type=jnp.float32)
    h = _bn_relu(h + b2_ref[...], g2_ref[...], be2_ref[...])
    z = jnp.dot(h, w3_ref[...], preferred_element_type=jnp.float32)
    z = z + b3_ref[0, 0] + lin + fm
    out_ref[...] = 1.0 / (1.0 + jnp.exp(-z))


def _dense(emb4, lin4, W1, b1, g1, be1, W2, b2, g2, be2, W3, b3,
           lin_bias, interpret=False):
    return pl.pallas_call(
        _dense_body,
        out_shape=jax.ShapeDtypeStruct((_B, 1), jnp.float32),
        interpret=interpret,
    )(emb4, lin4,
      W1, b1.reshape(1, -1), g1.reshape(1, -1), be1.reshape(1, -1),
      W2, b2.reshape(1, -1), g2.reshape(1, -1), be2.reshape(1, -1),
      W3, b3.reshape(1, 1), lin_bias.reshape(1, 1))


def kernel(x, embed_table, lin_table, lin_bias, W1, b1, g1, be1,
           W2, b2, g2, be2, W3, b3):
    offsets = jnp.arange(_F, dtype=jnp.int32) * 100000
    xio = x.astype(jnp.int32) + offsets[None, :]
    xi = xio.T.reshape(_NW, _NCH, _CH)
    emb128 = jnp.pad(
        embed_table.reshape(50000, 8, _E),
        ((0, 0), (0, 0), (0, 128 - _E))).reshape(400000, 128)
    lin128 = lin_table.reshape(3125, 128)
    emb_rows, lin_rows = _sc_gather(xi, emb128, lin128)
    emb4 = emb_rows.reshape(_F, _B, 128)
    lin4 = lin_rows.reshape(_F, _B).T
    return _dense(emb4, lin4, W1, b1, g1, be1, W2, b2, g2, be2, W3, b3,
                  lin_bias)

# --- scband reference (transcript-rebuilt; emitter-appended) ---
"""Pipeline reference for scband-deep-factorization-machine-model-31568009626003 (READ-ONLY COPY).

The authoritative reference and input builder live on the scoring server;
editing this copy changes nothing except your own understanding.
"""

import jax, jax.numpy as jnp
import numpy as np

FIELD_DIMS = [100000, 100000, 100000, 100000]
EMBED_DIM = 64
MLP_DIMS = [256, 128]
BATCH = 4096


def setup_inputs(seed: int = 0) -> dict:
    key = jax.random.key(seed)
    ks = jax.random.split(key, 16)
    total = sum(FIELD_DIMS)
    num_fields = len(FIELD_DIMS)
    in_dim = num_fields * EMBED_DIM
    x = jax.random.randint(ks[0], (BATCH, num_fields), 0, 100000, dtype=jnp.int64)
    embed_table = jax.random.normal(ks[1], (total, EMBED_DIM), dtype=jnp.float32) * 0.01
    lin_table = jax.random.normal(ks[2], (total, 1), dtype=jnp.float32) * 0.01
    lin_bias = jnp.zeros((1,), dtype=jnp.float32)
    W1 = jax.random.normal(ks[3], (in_dim, MLP_DIMS[0]), dtype=jnp.float32) * (1.0 / np.sqrt(in_dim))
    b1 = jnp.zeros((MLP_DIMS[0],), dtype=jnp.float32)
    g1 = jnp.ones((MLP_DIMS[0],), dtype=jnp.float32)
    be1 = jnp.zeros((MLP_DIMS[0],), dtype=jnp.float32)
    W2 = jax.random.normal(ks[4], (MLP_DIMS[0], MLP_DIMS[1]), dtype=jnp.float32) * (1.0 / np.sqrt(MLP_DIMS[0]))
    b2 = jnp.zeros((MLP_DIMS[1],), dtype=jnp.float32)
    g2 = jnp.ones((MLP_DIMS[1],), dtype=jnp.float32)
    be2 = jnp.zeros((MLP_DIMS[1],), dtype=jnp.float32)
    W3 = jax.random.normal(ks[5], (MLP_DIMS[1], 1), dtype=jnp.float32) * (1.0 / np.sqrt(MLP_DIMS[1]))
    b3 = jnp.zeros((1,), dtype=jnp.float32)
    return {"x": x, "embed_table": embed_table, "lin_table": lin_table, "lin_bias": lin_bias,
            "W1": W1, "b1": b1, "g1": g1, "be1": be1,
            "W2": W2, "b2": b2, "g2": g2, "be2": be2,
            "W3": W3, "b3": b3}


def _batchnorm(h, g, b, eps=1e-5):
    mu = jnp.mean(h, axis=0, keepdims=True)
    var = jnp.var(h, axis=0, keepdims=True)
    return g * (h - mu) / jnp.sqrt(var + eps) + b


def reference(x, embed_table, lin_table, lin_bias, W1, b1, g1, be1, W2, b2, g2, be2, W3, b3):
    offsets = jnp.asarray(np.array((0, *np.cumsum(FIELD_DIMS)[:-1]), dtype=np.int64))
    xi = x + offsets[None, :]
    # FeaturesEmbedding: gather -> (B, F, E)
    embed_x = jnp.take(embed_table, xi, axis=0)
    # FeaturesLinear: sum of per-feature weights + bias -> (B, 1)
    linear = jnp.sum(jnp.take(lin_table, xi, axis=0), axis=1) + lin_bias
    # FactorizationMachine (reduce_sum=True): 0.5 * ((sum_f e)^2 - sum_f e^2) summed over embed dim
    square_of_sum = jnp.sum(embed_x, axis=1) ** 2
    sum_of_square = jnp.sum(embed_x ** 2, axis=1)
    fm = 0.5 * jnp.sum(square_of_sum - sum_of_square, axis=1, keepdims=True)
    # MLP (BatchNorm in training-stats mode, ReLU; dropout treated as identity / eval)
    h = embed_x.reshape(-1, len(FIELD_DIMS) * EMBED_DIM)
    h = jax.nn.relu(_batchnorm(h @ W1 + b1, g1, be1))
    h = jax.nn.relu(_batchnorm(h @ W2 + b2, g2, be2))
    mlp_out = h @ W3 + b3
    return jax.nn.sigmoid(linear + fm + mlp_out)

if __name__ == "__main__":
    import jax
    _d = setup_inputs()
    print(jax.jit(kernel)(*tuple(_d.values())))

</pallas_src>

<mosaic_0001>
#map = affine_map<(d0, d1) -> (0, 0, 0)>
#map1 = affine_map<(d0, d1) -> (0, 0)>
module attributes {stable_mosaic.version = 14 : i64} {
  func.func @k(%arg0: i32, %arg1: i32, %arg2: memref<32x4x128xi32, #tpu.memory_space<hbm>>, %arg3: memref<400000x128xf32, #tpu.memory_space<hbm>>, %arg4: memref<3125x128xf32, #tpu.memory_space<hbm>>, %arg5: memref<16384x128xf32, #tpu.memory_space<hbm>>, %arg6: memref<32x512xf32, #tpu.memory_space<hbm>>, %arg7: memref<4x128xi32, #tpu.memory_space<vmem>>, %arg8: memref<4x128xi32, #tpu.memory_space<vmem>>, %arg9: memref<128x128xf32, #tpu.memory_space<vmem>>, %arg10: memref<128x128xf32, #tpu.memory_space<vmem>>, %arg11: memref<128x128xf32, #tpu.memory_space<vmem>>, %arg12: memref<128x128xf32, #tpu.memory_space<vmem>>, %arg13: memref<512xf32, #tpu.memory_space<vmem>>, %arg14: memref<!tpu.dma_semaphore, #tpu.memory_space<semaphore_mem>>, %arg15: memref<!tpu.dma_semaphore, #tpu.memory_space<semaphore_mem>>) attributes {dimension_semantics = [#tpu.dimension_semantics<core_parallel>, #tpu.dimension_semantics<subcore_parallel>], iteration_bounds = array<i64: 2, 16>, scalar_prefetch = 0 : i64, scratch_operands = 9 : i64, tpu.core_type = #tpu.core_type<sc_vector_subcore>, window_params = [{transform_indices = #map}, {transform_indices = #map1}, {transform_indices = #map1}, {transform_indices = #map1}, {transform_indices = #map1}]} {
    %mul3A = arith.constant 2 : i32
    %mul3A_0 = arith.muli %arg1, %mul3A : i32
    %add3A = arith.addi %mul3A_0, %arg0 : i32
    "tpu.region"() ({
      %run_scoped3A = tpu.sem_alloc : memref<!tpu.dma_semaphore, #tpu.memory_space<semaphore_mem>>
      %dma_start3A_889 = arith.constant 0 : i32
      %dma_start3A_890 = arith.constant 0 : i32
      %dma_start3A_891 = tpu.memref_slice %arg2[%add3A, %dma_start3A_889, %dma_start3A_890] : memref<32x4x128xi32, #tpu.memory_space<hbm>> -> memref<1x4x128xi32, #tpu.memory_space<hbm>>
      %dma_start3A_892 = tpu.memref_squeeze %dma_start3A_891 : memref<1x4x128xi32, #tpu.memory_space<hbm>> -> memref<4x128xi32, #tpu.memory_space<hbm>>
      %dma_start3A_893 = arith.constant 0 : i32
      %dma_start3A_894 = arith.constant 0 : i32
      %dma_start3A_895 = tpu.memref_slice %arg2[%add3A, %dma_start3A_893, %dma_start3A_894] : memref<32x4x128xi32, #tpu.memory_space<hbm>> -> memref<1x4x128xi32, #tpu.memory_space<hbm>>
      %dma_start3A_896 = tpu.memref_squeeze %dma_start3A_895 : memref<1x4x128xi32, #tpu.memory_space<hbm>> -> memref<4x128xi32, #tpu.memory_space<hbm>>
      tpu.enqueue_dma source(%dma_start3A_896 : memref<4x128xi32, #tpu.memory_space<hbm>>) target(%arg7 : memref<4x128xi32, #tpu.memory_space<vmem>>) target_semaphore(%run_scoped3A : memref<!tpu.dma_semaphore, #tpu.memory_space<semaphore_mem>>)
      %dma_wait3A_897 = arith.constant 0 : i32
      %dma_wait3A_898 = arith.constant 0 : i32
      %dma_wait3A_899 = tpu.memref_slice %arg2[%add3A, %dma_wait3A_897, %dma_wait3A_898] : memref<32x4x128xi32, #tpu.memory_space<hbm>> -> memref<1x4x128xi32, #tpu.memory_space<hbm>>
      %dma_wait3A_900 = tpu.memref_squeeze %dma_wait3A_899 : memref<1x4x128xi32, #tpu.memory_space<hbm>> -> memref<4x128xi32, #tpu.memory_space<hbm>>
      %dma_wait3A_901 = arith.constant 0 : i32
      %dma_wait3A_902 = arith.constant 0 : i32
      %dma_wait3A_903 = tpu.memref_slice %arg2[%add3A, %dma_wait3A_901, %dma_wait3A_902] : memref<32x4x128xi32, #tpu.memory_space<hbm>> -> memref<1x4x128xi32, #tpu.memory_space<hbm>>
      %dma_wait3A_904 = tpu.memref_squeeze %dma_wait3A_903 : memref<1x4x128xi32, #tpu.memory_space<hbm>> -> memref<4x128xi32, #tpu.memory_space<hbm>>
      tpu.wait_dma2 semaphore(%run_scoped3A : memref<!tpu.dma_semaphore, #tpu.memory_space<semaphore_mem>>) src(%dma_wait3A_904 : memref<4x128xi32, #tpu.memory_space<hbm>>) dst(%arg7 : memref<4x128xi32, #tpu.memory_space<vmem>>)
      tpu.yield
    }) : () -> ()
    %get3A = arith.constant 0 : i32
    %get3A_1 = arith.index_cast %get3A : i32 to index
    %get3A_2 = arith.constant 0 : index
    %get3A_3 = tpu.vector_load %arg7[%get3A_1, %get3A_2] {strides = array<i32>} : memref<4x128xi32, #tpu.memory_space<vmem>>, vector<16xi32>,
    %shift_right_logical3A = arith.constant 7 : i32
    %shift_right_logical3A_4 = vector.broadcast %shift_right_logical3A : i32 to vector<16xi32>
    %shift_right_logical3A_5 = arith.shrui %get3A_3, %shift_right_logical3A_4 : vector<16xi32>
    %swap3A = arith.constant 0 : i32
    %swap3A_6 = arith.index_cast %swap3A : i32 to index
    %swap3A_7 = arith.constant 0 : index
    %swap3A_8 = tpu.vector_load %arg8[%swap3A_6, %swap3A_7] {strides = array<i32>} : memref<4x128xi32, #tpu.memory_space<vmem>>, vector<16xi32>,
    tpu.vector_store %arg8[%swap3A_6, %swap3A_7], %shift_right_logical3A_5 {strides = array<i32>} : memref<4x128xi32, #tpu.memory_space<vmem>>, vector<16xi32>,
    %get3A_9 = arith.constant 0 : i32
    %get3A_10 = arith.index_cast %get3A_9 : i32 to index
    %get3A_11 = arith.constant 16 : index
    %get3A_12 = tpu.vector_load %arg7[%get3A_10, %get3A_11] {strides = array<i32>} : memref<4x128xi32, #tpu.memory_space<vmem>>, vector<16xi32>,
    %shift_right_logical3A_13 = arith.constant 7 : i32
    %shift_right_logical3A_14 = vector.broadcast %shift_right_logical3A_13 : i32 to vector<16xi32>
    %shift_right_logical3A_15 = arith.shrui %get3A_12, %shift_right_logical3A_14 : vector<16xi32>
    %swap3A_16 = arith.constant 0 : i32
    %swap3A_17 = arith.index_cast %swap3A_16 : i32 to index
    %swap3A_18 = arith.constant 16 : index
    %swap3A_19 = tpu.vector_load %arg8[%swap3A_17, %swap3A_18] {strides = array<i32>} : memref<4x128xi32, #tpu.memory_space<vmem>>, vector<16xi32>,
    tpu.vector_store %arg8[%swap3A_17, %swap3A_18], %shift_right_logical3A_15 {strides = array<i32>} : memref<4x128xi32, #tpu.memory_space<vmem>>, vector<16xi32>,
    %get3A_20 = arith.constant 0 : i32
    %get3A_21 = arith.index_cast %get3A_20 : i32 to index
    %get3A_22 = arith.constant 32 : index
    %get3A_23 = tpu.vector_load %arg7[%get3A_21, %get3A_22] {strides = array<i32>} : memref<4x128xi32, #tpu.memory_space<vmem>>, vector<16xi32>,
    %shift_right_logical3A_24 = arith.constant 7 : i32
    %shift_right_logical3A_25 = vector.broadcast %shift_right_logical3A_24 : i32 to vector<16xi32>
    %shift_right_logical3A_26 = arith.shrui %get3A_23, %shift_right_logical3A_25 : vector<16xi32>
    %swap3A_27 = arith.constant 0 : i32
    %swap3A_28 = arith.index_cast %swap3A_27 : i32 to index
    %swap3A_29 = arith.constant 32 : index
    %swap3A_30 = tpu.vector_load %arg8[%swap3A_28, %swap3A_29] {strides = array<i32>} : memref<4x128xi32, #tpu.memory_space<vmem>>, vector<16xi32>,
    tpu.vector_store %arg8[%swap3A_28, %swap3A_29], %shift_right_logical3A_26 {strides = array<i32>} : memref<4x128xi32, #tpu.memory_space<vmem>>, vector<16xi32>,
    %get3A_31 = arith.constant 0 : i32
    %get3A_32 = arith.index_cast %get3A_31 : i32 to index
    %get3A_33 = arith.constant 48 : index
    %get3A_34 = tpu.vector_load %arg7[%get3A_32, %get3A_33] {strides = array<i32>} : memref<4x128xi32, #tpu.memory_space<vmem>>, vector<16xi32>,
    %shift_right_logical3A_35 = arith.constant 7 : i32
    %shift_right_logical3A_36 = vector.broadcast %shift_right_logical3A_35 : i32 to vector<16xi32>
    %shift_right_logical3A_37 = arith.shrui %get3A_34, %shift_right_logical3A_36 : vector<16xi32>
    %swap3A_38 = arith.constant 0 : i32
    %swap3A_39 = arith.index_cast %swap3A_38 : i32 to index
    %swap3A_40 = arith.constant 48 : index
    %swap3A_41 = tpu.vector_load %arg8[%swap3A_39, %swap3A_40] {strides = array<i32>} : memref<4x128xi32, #tpu.memory_space<vmem>>, vector<16xi32>,
    tpu.vector_store %arg8[%swap3A_39, %swap3A_40], %shift_right_logical3A_37 {strides = array<i32>} : memref<4x128xi32, #tpu.memory_space<vmem>>, vector<16xi32>,
    %get3A_42 = arith.constant 0 : i32
    %get3A_43 = arith.index_cast %get3A_42 : i32 to index
    %get3A_44 = arith.constant 64 : index
    %get3A_45 = tpu.vector_load %arg7[%get3A_43, %get3A_44] {strides = array<i32>} : memref<4x128xi32, #tpu.memory_space<vmem>>, vector<16xi32>,
    %shift_right_logical3A_46 = arith.constant 7 : i32
    %shift_right_logical3A_47 = vector.broadcast %shift_right_logical3A_46 : i32 to vector<16xi32>
    %shift_right_logical3A_48 = arith.shrui %get3A_45, %shift_right_logical3A_47 : vector<16xi32>
    %swap3A_49 = arith.constant 0 : i32
    %swap3A_50 = arith.index_cast %swap3A_49 : i32 to index
    %swap3A_51 = arith.constant 64 : index
    %swap3A_52 = tpu.vector_load %arg8[%swap3A_50, %swap3A_51] {strides = array<i32>} : memref<4x128xi32, #tpu.memory_space<vmem>>, vector<16xi32>,
    tpu.vector_store %arg8[%swap3A_50, %swap3A_51], %shift_right_logical3A_48 {strides = array<i32>} : memref<4x128xi32, #tpu.memory_space<vmem>>, vector<16xi32>,
    %get3A_53 = arith.constant 0 : i32
    %get3A_54 = arith.index_cast %get3A_53 : i32 to index
    %get3A_55 = arith.constant 80 : index
    %get3A_56 = tpu.vector_load %arg7[%get3A_54, %get3A_55] {strides = array<i32>} : memref<4x128xi32, #tpu.memory_space<vmem>>, vector<16xi32>,
    %shift_right_logical3A_57 = arith.constant 7 : i32
    %shift_right_logical3A_58 = vector.broadcast %shift_right_logical3A_57 : i32 to vector<16xi32>
    %shift_right_logical3A_59 = arith.shrui %get3A_56, %shift_right_logical3A_58 : vector<16xi32>
    %swap3A_60 = arith.constant 0 : i32
    %swap3A_61 = arith.index_cast %swap3A_60 : i32 to index
    %swap3A_62 = arith.constant 80 : index
    %swap3A_63 = tpu.vector_load %arg8[%swap3A_61, %swap3A_62] {strides = array<i32>} : memref<4x128xi32, #tpu.memory_space<vmem>>, vector<16xi32>,
    tpu.vector_store %arg8[%swap3A_61, %swap3A_62], %shift_right_logical3A_59 {strides = array<i32>} : memref<4x128xi32, #tpu.memory_space<vmem>>, vector<16xi32>,
    %get3A_64 = arith.constant 0 : i32
    %get3A_65 = arith.index_cast %get3A_64 : i32 to index
    %get3A_66 = arith.constant 96 : index
    %get3A_67 = tpu.vector_load %arg7[%get3A_65, %get3A_66] {strides = array<i32>} : memref<4x128xi32, #tpu.memory_space<vmem>>, vector<16xi32>,
    %shift_right_logical3A_68 = arith.constant 7 : i32
    %shift_right_logical3A_69 = vector.broadcast %shift_right_logical3A_68 : i32 to vector<16xi32>
    %shift_right_logical3A_70 = arith.shrui %get3A_67, %shift_right_logical3A_69 : vector<16xi32>
    %swap3A_71 = arith.constant 0 : i32
    %swap3A_72 = arith.index_cast %swap3A_71 : i32 to index
    %swap3A_73 = arith.constant 96 : index
    %swap3A_74 = tpu.vector_load %arg8[%swap3A_72, %swap3A_73] {strides = array<i32>} : memref<4x128xi32, #tpu.memory_space<vmem>>, vector<16xi32>,
    tpu.vector_store %arg8[%swap3A_72, %swap3A_73], %shift_right_logical3A_70 {strides = array<i32>} : memref<4x128xi32, #tpu.memory_space<vmem>>, vector<16xi32>,
    %get3A_75 = arith.constant 0 : i32
    %get3A_76 = arith.index_cast %get3A_75 : i32 to index
    %get3A_77 = arith.constant 112 : index
    %get3A_78 = tpu.vector_load %arg7[%get3A_76, %get3A_77] {strides = array<i32>} : memref<4x128xi32, #tpu.memory_space<vmem>>, vector<16xi32>,
    %shift_right_logical3A_79 = arith.constant 7 : i32
    %shift_right_logical3A_80 = vector.broadcast %shift_right_logical3A_79 : i32 to vector<16xi32>
    %shift_right_logical3A_81 = arith.shrui %get3A_78, %shift_right_logical3A_80 : vector<16xi32>
    %swap3A_82 = arith.constant 0 : i32
    %swap3A_83 = arith.index_cast %swap3A_82 : i32 to index
    %swap3A_84 = arith.constant 112 : index
    %swap3A_85 = tpu.vector_load %arg8[%swap3A_83, %swap3A_84] {strides = array<i32>} : memref<4x128xi32, #tpu.memory_space<vmem>>, vector<16xi32>,
    tpu.vector_store %arg8[%swap3A_83, %swap3A_84], %shift_right_logical3A_81 {strides = array<i32>} : memref<4x128xi32, #tpu.memory_space<vmem>>, vector<16xi32>,
    %get3A_86 = arith.constant 1 : i32
    %get3A_87 = arith.index_cast %get3A_86 : i32 to index
    %get3A_88 = arith.constant 0 : index
    %get3A_89 = tpu.vector_load %arg7[%get3A_87, %get3A_88] {strides = array<i32>} : memref<4x128xi32, #tpu.memory_space<vmem>>, vector<16xi32>,
    %shift_right_logical3A_90 = arith.constant 7 : i32
    %shift_right_logical3A_91 = vector.broadcast %shift_right_logical3A_90 : i32 to vector<16xi32>
    %shift_right_logical3A_92 = arith.shrui %get3A_89, %shift_right_logical3A_91 : vector<16xi32>
    %swap3A_93 = arith.constant 1 : i32
    %swap3A_94 = arith.index_cast %swap3A_93 : i32 to index
    %swap3A_95 = arith.constant 0 : index
    %swap3A_96 = tpu.vector_load %arg8[%swap3A_94, %swap3A_95] {strides = array<i32>} : memref<4x128xi32, #tpu.memory_space<vmem>>, vector<16xi32>,
    tpu.vector_store %arg8[%swap3A_94, %swap3A_95], %shift_right_logical3A_92 {strides = array<i32>} : memref<4x128xi32, #tpu.memory_space<vmem>>, vector<16xi32>,
    %get3A_97 = arith.constant 1 : i32
    %get3A_98 = arith.index_cast %get3A_97 : i32 to index
    %get3A_99 = arith.constant 16 : index
    %get3A_100 = tpu.vector_load %arg7[%get3A_98, %get3A_99] {strides = array<i32>} : memref<4x128xi32, #tpu.memory_space<vmem>>, vector<16xi32>,
    %shift_right_logical3A_101 = arith.constant 7 : i32
    %shift_right_logical3A_102 = vector.broadcast %shift_right_logical3A_101 : i32 to vector<16xi32>
    %shift_right_logical3A_103 = arith.shrui %get3A_100, %shift_right_logical3A_102 : vector<16xi32>
    %swap3A_104 = arith.constant 1 : i32
    %swap3A_105 = arith.index_cast %swap3A_104 : i32 to index
    %swap3A_106 = arith.constant 16 : index
    %swap3A_107 = tpu.vector_load %arg8[%swap3A_105, %swap3A_106] {strides = array<i32>} : memref<4x128xi32, #tpu.memory_space<vmem>>, vector<16xi32>,
    tpu.vector_store %arg8[%swap3A_105, %swap3A_106], %shift_right_logical3A_103 {strides = array<i32>} : memref<4x128xi32, #tpu.memory_space<vmem>>, vector<16xi32>,
    %get3A_108 = arith.constant 1 : i32
    %get3A_109 = arith.index_cast %get3A_108 : i32 to index
    %get3A_110 = arith.constant 32 : index
    %get3A_111 = tpu.vector_load %arg7[%get3A_109, %get3A_110] {strides = array<i32>} : memref<4x128xi32, #tpu.memory_space<vmem>>, vector<16xi32>,
    %shift_right_logical3A_112 = arith.constant 7 : i32
    %shift_right_logical3A_113 = vector.broadcast %shift_right_logical3A_112 : i32 to vector<16xi32>
    %shift_right_logical3A_114 = arith.shrui %get3A_111, %shift_right_logical3A_113 : vector<16xi32>
    %swap3A_115 = arith.constant 1 : i32
    %swap3A_116 = arith.index_cast %swap3A_115 : i32 to index
    %swap3A_117 = arith.constant 32 : index
    %swap3A_118 = tpu.vector_load %arg8[%swap3A_116, %swap3A_117] {strides = array<i32>} : memref<4x128xi32, #tpu.memory_space<vmem>>, vector<16xi32>,
    tpu.vector_store %arg8[%swap3A_116, %swap3A_117], %shift_right_logical3A_114 {strides = array<i32>} : memref<4x128xi32, #tpu.memory_space<vmem>>, vector<16xi32>,
    %get3A_119 = arith.constant 1 : i32
    %get3A_120 = arith.index_cast %get3A_119 : i32 to index
    %get3A_121 = arith.constant 48 : index
    %get3A_122 = tpu.vector_load %arg7[%get3A_120, %get3A_121] {strides = array<i32>} : memref<4x128xi32, #tpu.memory_space<vmem>>, vector<16xi32>,
    %shift_right_logical3A_123 = arith.constant 7 : i32
    %shift_right_logical3A_124 = vector.broadcast %shift_right_logical3A_123 : i32 to vector<16xi32>
    %shift_right_logical3A_125 = arith.shrui %get3A_122, %shift_right_logical3A_124 : vector<16xi32>
    %swap3A_126 = arith.constant 1 : i32
    %swap3A_127 = arith.index_cast %swap3A_126 : i32 to index
    %swap3A_128 = arith.constant 48 : index
    %swap3A_129 = tpu.vector_load %arg8[%swap3A_127, %swap3A_128] {strides = array<i32>} : memref<4x128xi32, #tpu.memory_space<vmem>>, vector<16xi32>,
    tpu.vector_store %arg8[%swap3A_127, %swap3A_128], %shift_right_logical3A_125 {strides = array<i32>} : memref<4x128xi32, #tpu.memory_space<vmem>>, vector<16xi32>,
    %get3A_130 = arith.constant 1 : i32
    %get3A_131 = arith.index_cast %get3A_130 : i32 to index
    %get3A_132 = arith.constant 64 : index
    %get3A_133 = tpu.vector_load %arg7[%get3A_131, %get3A_132] {strides = array<i32>} : memref<4x128xi32, #tpu.memory_space<vmem>>, vector<16xi32>,
    %shift_right_logical3A_134 = arith.constant 7 : i32
    %shift_right_logical3A_135 = vector.broadcast %shift_right_logical3A_134 : i32 to vector<16xi32>
    %shift_right_logical3A_136 = arith.shrui %get3A_133, %shift_right_logical3A_135 : vector<16xi32>
    %swap3A_137 = arith.constant 1 : i32
    %swap3A_138 = arith.index_cast %swap3A_137 : i32 to index
    %swap3A_139 = arith.constant 64 : index
    %swap3A_140 = tpu.vector_load %arg8[%swap3A_138, %swap3A_139] {strides = array<i32>} : memref<4x128xi32, #tpu.memory_space<vmem>>, vector<16xi32>,
    tpu.vector_store %arg8[%swap3A_138, %swap3A_139], %shift_right_logical3A_136 {strides = array<i32>} : memref<4x128xi32, #tpu.memory_space<vmem>>, vector<16xi32>,
    %get3A_141 = arith.constant 1 : i32
    %get3A_142 = arith.index_cast %get3A_141 : i32 to index
    %get3A_143 = arith.constant 80 : index
    %get3A_144 = tpu.vector_load %arg7[%get3A_142, %get3A_143] {strides = array<i32>} : memref<4x128xi32, #tpu.memory_space<vmem>>, vector<16xi32>,
    %shift_right_logical3A_145 = arith.constant 7 : i32
    %shift_right_logical3A_146 = vector.broadcast %shift_right_logical3A_145 : i32 to vector<16xi32>
    %shift_right_logical3A_147 = arith.shrui %get3A_144, %shift_right_logical3A_146 : vector<16xi32>
    %swap3A_148 = arith.constant 1 : i32
    %swap3A_149 = arith.index_cast %swap3A_148 : i32 to index
    %swap3A_150 = arith.constant 80 : index
    %swap3A_151 = tpu.vector_load %arg8[%swap3A_149, %swap3A_150] {strides = array<i32>} : memref<4x128xi32, #tpu.memory_space<vmem>>, vector<16xi32>,
    tpu.vector_store %arg8[%swap3A_149, %swap3A_150], %shift_right_logical3A_147 {strides = array<i32>} : memref<4x128xi32, #tpu.memory_space<vmem>>, vector<16xi32>,
    %get3A_152 = arith.constant 1 : i32
    %get3A_153 = arith.index_cast %get3A_152 : i32 to index
    %get3A_154 = arith.constant 96 : index
    %get3A_155 = tpu.vector_load %arg7[%get3A_153, %get3A_154] {strides = array<i32>} : memref<4x128xi32, #tpu.memory_space<vmem>>, vector<16xi32>,
    %shift_right_logical3A_156 = arith.constant 7 : i32
    %shift_right_logical3A_157 = vector.broadcast %shift_right_logical3A_156 : i32 to vector<16xi32>
    %shift_right_logical3A_158 = arith.shrui %get3A_155, %shift_right_logical3A_157 : vector<16xi32>
    %swap3A_159 = arith.constant 1 : i32
    %swap3A_160 = arith.index_cast %swap3A_159 : i32 to index
    %swap3A_161 = arith.constant 96 : index
    %swap3A_162 = tpu.vector_load %arg8[%swap3A_160, %swap3A_161] {strides = array<i32>} : memref<4x128xi32, #tpu.memory_space<vmem>>, vector<16xi32>,
    tpu.vector_store %arg8[%swap3A_160, %swap3A_161], %shift_right_logical3A_158 {strides = array<i32>} : memref<4x128xi32, #tpu.memory_space<vmem>>, vector<16xi32>,
    %get3A_163 = arith.constant 1 : i32
    %get3A_164 = arith.index_cast %get3A_163 : i32 to index
    %get3A_165 = arith.constant 112 : index
    %get3A_166 = tpu.vector_load %arg7[%get3A_164, %get3A_165] {strides = array<i32>} : memref<4x128xi32, #tpu.memory_space<vmem>>, vector<16xi32>,
    %shift_right_logical3A_167 = arith.constant 7 : i32
    %shift_right_logical3A_168 = vector.broadcast %shift_right_logical3A_167 : i32 to vector<16xi32>
    %shift_right_logical3A_169 = arith.shrui %get3A_166, %shift_right_logical3A_168 : vector<16xi32>
    %swap3A_170 = arith.constant 1 : i32
    %swap3A_171 = arith.index_cast %swap3A_170 : i32 to index
    %swap3A_172 = arith.constant 112 : index
    %swap3A_173 = tpu.vector_load %arg8[%swap3A_171, %swap3A_172] {strides = array<i32>} : memref<4x128xi32, #tpu.memory_space<vmem>>, vector<16xi32>,
    tpu.vector_store %arg8[%swap3A_171, %swap3A_172], %shift_right_logical3A_169 {strides = array<i32>} : memref<4x128xi32, #tpu.memory_space<vmem>>, vector<16xi32>,
    %get3A_174 = arith.constant 2 : i32
    %get3A_175 = arith.index_cast %get3A_174 : i32 to index
    %get3A_176 = arith.constant 0 : index
    %get3A_177 = tpu.vector_load %arg7[%get3A_175, %get3A_176] {strides = array<i32>} : memref<4x128xi32, #tpu.memory_space<vmem>>, vector<16xi32>,
    %shift_right_logical3A_178 = arith.constant 7 : i32
    %shift_right_logical3A_179 = vector.broadcast %shift_right_logical3A_178 : i32 to vector<16xi32>
    %shift_right_logical3A_180 = arith.shrui %get3A_177, %shift_right_logical3A_179 : vector<16xi32>
    %swap3A_181 = arith.constant 2 : i32
    %swap3A_182 = arith.index_cast %swap3A_181 : i32 to index
    %swap3A_183 = arith.constant 0 : index
    %swap3A_184 = tpu.vector_load %arg8[%swap3A_182, %swap3A_183] {strides = array<i32>} : memref<4x128xi32, #tpu.memory_space<vmem>>, vector<16xi32>,
    tpu.vector_store %arg8[%swap3A_182, %swap3A_183], %shift_right_logical3A_180 {strides = array<i32>} : memref<4x128xi32, #tpu.memory_space<vmem>>, vector<16xi32>,
    %get3A_185 = arith.constant 2 : i32
    %get3A_186 = arith.index_cast %get3A_185 : i32 to index
    %get3A_187 = arith.constant 16 : index
    %get3A_188 = tpu.vector_load %arg7[%get3A_186, %get3A_187] {strides = array<i32>} : memref<4x128xi32, #tpu.memory_space<vmem>>, vector<16xi32>,
    %shift_right_logical3A_189 = arith.constant 7 : i32
    %shift_right_logical3A_190 = vector.broadcast %shift_right_logical3A_189 : i32 to vector<16xi32>
    %shift_right_logical3A_191 = arith.shrui %get3A_188, %shift_right_logical3A_190 : vector<16xi32>
    %swap3A_192 = arith.constant 2 : i32
    %swap3A_193 = arith.index_cast %swap3A_192 : i32 to index
    %swap3A_194 = arith.constant 16 : index
    %swap3A_195 = tpu.vector_load %arg8[%swap3A_193, %swap3A_194] {strides = array<i32>} : memref<4x128xi32, #tpu.memory_space<vmem>>, vector<16xi32>,
    tpu.vector_store %arg8[%swap3A_193, %swap3A_194], %shift_right_logical3A_191 {strides = array<i32>} : memref<4x128xi32, #tpu.memory_space<vmem>>, vector<16xi32>,
    %get3A_196 = arith.constant 2 : i32
    %get3A_197 = arith.index_cast %get3A_196 : i32 to index
    %get3A_198 = arith.constant 32 : index
    %get3A_199 = tpu.vector_load %arg7[%get3A_197, %get3A_198] {strides = array<i32>} : memref<4x128xi32, #tpu.memory_space<vmem>>, vector<16xi32>,
    %shift_right_logical3A_200 = arith.constant 7 : i32
    %shift_right_logical3A_201 = vector.broadcast %shift_right_logical3A_200 : i32 to vector<16xi32>
    %shift_right_logical3A_202 = arith.shrui %get3A_199, %shift_right_logical3A_201 : vector<16xi32>
    %swap3A_203 = arith.constant 2 : i32
    %swap3A_204 = arith.index_cast %swap3A_203 : i32 to index
    %swap3A_205 = arith.constant 32 : index
    %swap3A_206 = tpu.vector_load %arg8[%swap3A_204, %swap3A_205] {strides = array<i32>} : memref<4x128xi32, #tpu.memory_space<vmem>>, vector<16xi32>,
    tpu.vector_store %arg8[%swap3A_204, %swap3A_205], %shift_right_logical3A_202 {strides = array<i32>} : memref<4x128xi32, #tpu.memory_space<vmem>>, vector<16xi32>,
    %get3A_207 = arith.constant 2 : i32
    %get3A_208 = arith.index_cast %get3A_207 : i32 to index
    %get3A_209 = arith.constant 48 : index
    %get3A_210 = tpu.vector_load %arg7[%get3A_208, %get3A_209] {strides = array<i32>} : memref<4x128xi32, #tpu.memory_space<vmem>>, vector<16xi32>,
    %shift_right_logical3A_211 = arith.constant 7 : i32
    %shift_right_logical3A_212 = vector.broadcast %shift_right_logical3A_211 : i32 to vector<16xi32>
    %shift_right_logical3A_213 = arith.shrui %get3A_210, %shift_right_logical3A_212 : vector<16xi32>
    %swap3A_214 = arith.constant 2 : i32
    %swap3A_215 = arith.index_cast %swap3A_214 : i32 to index
    %swap3A_216 = arith.constant 48 : index
    %swap3A_217 = tpu.vector_load %arg8[%swap3A_215, %swap3A_216] {strides = array<i32>} : memref<4x128xi32, #tpu.memory_space<vmem>>, vector<16xi32>,
    tpu.vector_store %arg8[%swap3A_215, %swap3A_216], %shift_right_logical3A_213 {strides = array<i32>} : memref<4x128xi32, #tpu.memory_space<vmem>>, vector<16xi32>,
    %get3A_218 = arith.constant 2 : i32
    %get3A_219 = arith.index_cast %get3A_218 : i32 to index
    %get3A_220 = arith.constant 64 : index
    %get3A_221 = tpu.vector_load %arg7[%get3A_219, %get3A_220] {strides = array<i32>} : memref<4x128xi32, #tpu.memory_space<vmem>>, vector<16xi32>,
    %shift_right_logical3A_222 = arith.constant 7 : i32
    %shift_right_logical3A_223 = vector.broadcast %shift_right_logical3A_222 : i32 to vector<16xi32>
    %shift_right_logical3A_224 = arith.shrui %get3A_221, %shift_right_logical3A_223 : vector<16xi32>
    %swap3A_225 = arith.constant 2 : i32
    %swap3A_226 = arith.index_cast %swap3A_225 : i32 to index
    %swap3A_227 = arith.constant 64 : index
    %swap3A_228 = tpu.vector_load %arg8[%swap3A_226, %swap3A_227] {strides = array<i32>} : memref<4x128xi32, #tpu.memory_space<vmem>>, vector<16xi32>,
    tpu.vector_store %arg8[%swap3A_226, %swap3A_227], %shift_right_logical3A_224 {strides = array<i32>} : memref<4x128xi32, #tpu.memory_space<vmem>>, vector<16xi32>,
    %get3A_229 = arith.constant 2 : i32
    %get3A_230 = arith.index_cast %get3A_229 : i32 to index
    %get3A_231 = arith.constant 80 : index
    %get3A_232 = tpu.vector_load %arg7[%get3A_230, %get3A_231] {strides = array<i32>} : memref<4x128xi32, #tpu.memory_space<vmem>>, vector<16xi32>,
    %shift_right_logical3A_233 = arith.constant 7 : i32
    %shift_right_logical3A_234 = vector.broadcast %shift_right_logical3A_233 : i32 to vector<16xi32>
    %shift_right_logical3A_235 = arith.shrui %get3A_232, %shift_right_logical3A_234 : vector<16xi32>
    %swap3A_236 = arith.constant 2 : i32
    %swap3A_237 = arith.index_cast %swap3A_236 : i32 to index
    %swap3A_238 = arith.constant 80 : index
    %swap3A_239 = tpu.vector_load %arg8[%swap3A_237, %swap3A_238] {strides = array<i32>} : memref<4x128xi32, #tpu.memory_space<vmem>>, vector<16xi32>,
    tpu.vector_store %arg8[%swap3A_237, %swap3A_238], %shift_right_logical3A_235 {strides = array<i32>} : memref<4x128xi32, #tpu.memory_space<vmem>>, vector<16xi32>,
    %get3A_240 = arith.constant 2 : i32
    %get3A_241 = arith.index_cast %get3A_240 : i32 to index
    %get3A_242 = arith.constant 96 : index
    %get3A_243 = tpu.vector_load %arg7[%get3A_241, %get3A_242] {strides = array<i32>} : memref<4x128xi32, #tpu.memory_space<vmem>>, vector<16xi32>,
    %shift_right_logical3A_244 = arith.constant 7 : i32
    %shift_right_logical3A_245 = vector.broadcast %shift_right_logical3A_244 : i32 to vector<16xi32>
    %shift_right_logical3A_246 = arith.shrui %get3A_243, %shift_right_logical3A_245 : vector<16xi32>
    %swap3A_247 = arith.constant 2 : i32
    %swap3A_248 = arith.index_cast %swap3A_247 : i32 to index
    %swap3A_249 = arith.constant 96 : index
    %swap3A_250 = tpu.vector_load %arg8[%swap3A_248, %swap3A_249] {strides = array<i32>} : memref<4x128xi32, #tpu.memory_space<vmem>>, vector<16xi32>,
    tpu.vector_store %arg8[%swap3A_248, %swap3A_249], %shift_right_logical3A_246 {strides = array<i32>} : memref<4x128xi32, #tpu.memory_space<vmem>>, vector<16xi32>,
    %get3A_251 = arith.constant 2 : i32
    %get3A_252 = arith.index_cast %get3A_251 : i32 to index
    %get3A_253 = arith.constant 112 : index
    %get3A_254 = tpu.vector_load %arg7[%get3A_252, %get3A_253] {strides = array<i32>} : memref<4x128xi32, #tpu.memory_space<vmem>>, vector<16xi32>,
    %shift_right_logical3A_255 = arith.constant 7 : i32
    %shift_right_logical3A_256 = vector.broadcast %shift_right_logical3A_255 : i32 to vector<16xi32>
    %shift_right_logical3A_257 = arith.shrui %get3A_254, %shift_right_logical3A_256 : vector<16xi32>
    %swap3A_258 = arith.constant 2 : i32
    %swap3A_259 = arith.index_cast %swap3A_258 : i32 to index
    %swap3A_260 = arith.constant 112 : index
    %swap3A_261 = tpu.vector_load %arg8[%swap3A_259, %swap3A_260] {strides = array<i32>} : memref<4x128xi32, #tpu.memory_space<vmem>>, vector<16xi32>,
    tpu.vector_store %arg8[%swap3A_259, %swap3A_260], %shift_right_logical3A_257 {strides = array<i32>} : memref<4x128xi32, #tpu.memory_space<vmem>>, vector<16xi32>,
    %get3A_262 = arith.constant 3 : i32
    %get3A_263 = arith.index_cast %get3A_262 : i32 to index
    %get3A_264 = arith.constant 0 : index
    %get3A_265 = tpu.vector_load %arg7[%get3A_263, %get3A_264] {strides = array<i32>} : memref<4x128xi32, #tpu.memory_space<vmem>>, vector<16xi32>,
    %shift_right_logical3A_266 = arith.constant 7 : i32
    %shift_right_logical3A_267 = vector.broadcast %shift_right_logical3A_266 : i32 to vector<16xi32>
    %shift_right_logical3A_268 = arith.shrui %get3A_265, %shift_right_logical3A_267 : vector<16xi32>
    %swap3A_269 = arith.constant 3 : i32
    %swap3A_270 = arith.index_cast %swap3A_269 : i32 to index
    %swap3A_271 = arith.constant 0 : index
    %swap3A_272 = tpu.vector_load %arg8[%swap3A_270, %swap3A_271] {strides = array<i32>} : memref<4x128xi32, #tpu.memory_space<vmem>>, vector<16xi32>,
    tpu.vector_store %arg8[%swap3A_270, %swap3A_271], %shift_right_logical3A_268 {strides = array<i32>} : memref<4x128xi32, #tpu.memory_space<vmem>>, vector<16xi32>,
    %get3A_273 = arith.constant 3 : i32
    %get3A_274 = arith.index_cast %get3A_273 : i32 to index
    %get3A_275 = arith.constant 16 : index
    %get3A_276 = tpu.vector_load %arg7[%get3A_274, %get3A_275] {strides = array<i32>} : memref<4x128xi32, #tpu.memory_space<vmem>>, vector<16xi32>,
    %shift_right_logical3A_277 = arith.constant 7 : i32
    %shift_right_logical3A_278 = vector.broadcast %shift_right_logical3A_277 : i32 to vector<16xi32>
    %shift_right_logical3A_279 = arith.shrui %get3A_276, %shift_right_logical3A_278 : vector<16xi32>
    %swap3A_280 = arith.constant 3 : i32
    %swap3A_281 = arith.index_cast %swap3A_280 : i32 to index
    %swap3A_282 = arith.constant 16 : index
    %swap3A_283 = tpu.vector_load %arg8[%swap3A_281, %swap3A_282] {strides = array<i32>} : memref<4x128xi32, #tpu.memory_space<vmem>>, vector<16xi32>,
    tpu.vector_store %arg8[%swap3A_281, %swap3A_282], %shift_right_logical3A_279 {strides = array<i32>} : memref<4x128xi32, #tpu.memory_space<vmem>>, vector<16xi32>,
    %get3A_284 = arith.constant 3 : i32
    %get3A_285 = arith.index_cast %get3A_284 : i32 to index
    %get3A_286 = arith.constant 32 : index
    %get3A_287 = tpu.vector_load %arg7[%get3A_285, %get3A_286] {strides = array<i32>} : memref<4x128xi32, #tpu.memory_space<vmem>>, vector<16xi32>,
    %shift_right_logical3A_288 = arith.constant 7 : i32
    %shift_right_logical3A_289 = vector.broadcast %shift_right_logical3A_288 : i32 to vector<16xi32>
    %shift_right_logical3A_290 = arith.shrui %get3A_287, %shift_right_logical3A_289 : vector<16xi32>
    %swap3A_291 = arith.constant 3 : i32
    %swap3A_292 = arith.index_cast %swap3A_291 : i32 to index
    %swap3A_293 = arith.constant 32 : index
    %swap3A_294 = tpu.vector_load %arg8[%swap3A_292, %swap3A_293] {strides = array<i32>} : memref<4x128xi32, #tpu.memory_space<vmem>>, vector<16xi32>,
    tpu.vector_store %arg8[%swap3A_292, %swap3A_293], %shift_right_logical3A_290 {strides = array<i32>} : memref<4x128xi32, #tpu.memory_space<vmem>>, vector<16xi32>,
    %get3A_295 = arith.constant 3 : i32
    %get3A_296 = arith.index_cast %get3A_295 : i32 to index
    %get3A_297 = arith.constant 48 : index
    %get3A_298 = tpu.vector_load %arg7[%get3A_296, %get3A_297] {strides = array<i32>} : memref<4x128xi32, #tpu.memory_space<vmem>>, vector<16xi32>,
    %shift_right_logical3A_299 = arith.constant 7 : i32
    %shift_right_logical3A_300 = vector.broadcast %shift_right_logical3A_299 : i32 to vector<16xi32>
    %shift_right_logical3A_301 = arith.shrui %get3A_298, %shift_right_logical3A_300 : vector<16xi32>
    %swap3A_302 = arith.constant 3 : i32
    %swap3A_303 = arith.index_cast %swap3A_302 : i32 to index
    %swap3A_304 = arith.constant 48 : index
    %swap3A_305 = tpu.vector_load %arg8[%swap3A_303, %swap3A_304] {strides = array<i32>} : memref<4x128xi32, #tpu.memory_space<vmem>>, vector<16xi32>,
    tpu.vector_store %arg8[%swap3A_303, %swap3A_304], %shift_right_logical3A_301 {strides = array<i32>} : memref<4x128xi32, #tpu.memory_space<vmem>>, vector<16xi32>,
    %get3A_306 = arith.constant 3 : i32
    %get3A_307 = arith.index_cast %get3A_306 : i32 to index
    %get3A_308 = arith.constant 64 : index
    %get3A_309 = tpu.vector_load %arg7[%get3A_307, %get3A_308] {strides = array<i32>} : memref<4x128xi32, #tpu.memory_space<vmem>>, vector<16xi32>,
    %shift_right_logical3A_310 = arith.constant 7 : i32
    %shift_right_logical3A_311 = vector.broadcast %shift_right_logical3A_310 : i32 to vector<16xi32>
    %shift_right_logical3A_312 = arith.shrui %get3A_309, %shift_right_logical3A_311 : vector<16xi32>
    %swap3A_313 = arith.constant 3 : i32
    %swap3A_314 = arith.index_cast %swap3A_313 : i32 to index
    %swap3A_315 = arith.constant 64 : index
    %swap3A_316 = tpu.vector_load %arg8[%swap3A_314, %swap3A_315] {strides = array<i32>} : memref<4x128xi32, #tpu.memory_space<vmem>>, vector<16xi32>,
    tpu.vector_store %arg8[%swap3A_314, %swap3A_315], %shift_right_logical3A_312 {strides = array<i32>} : memref<4x128xi32, #tpu.memory_space<vmem>>, vector<16xi32>,
    %get3A_317 = arith.constant 3 : i32
    %get3A_318 = arith.index_cast %get3A_317 : i32 to index
    %get3A_319 = arith.constant 80 : index
    %get3A_320 = tpu.vector_load %arg7[%get3A_318, %get3A_319] {strides = array<i32>} : memref<4x128xi32, #tpu.memory_space<vmem>>, vector<16xi32>,
    %shift_right_logical3A_321 = arith.constant 7 : i32
    %shift_right_logical3A_322 = vector.broadcast %shift_right_logical3A_321 : i32 to vector<16xi32>
    %shift_right_logical3A_323 = arith.shrui %get3A_320, %shift_right_logical3A_322 : vector<16xi32>
    %swap3A_324 = arith.constant 3 : i32
    %swap3A_325 = arith.index_cast %swap3A_324 : i32 to index
    %swap3A_326 = arith.constant 80 : index
    %swap3A_327 = tpu.vector_load %arg8[%swap3A_325, %swap3A_326] {strides = array<i32>} : memref<4x128xi32, #tpu.memory_space<vmem>>, vector<16xi32>,
    tpu.vector_store %arg8[%swap3A_325, %swap3A_326], %shift_right_logical3A_323 {strides = array<i32>} : memref<4x128xi32, #tpu.memory_space<vmem>>, vector<16xi32>,
    %get3A_328 = arith.constant 3 : i32
    %get3A_329 = arith.index_cast %get3A_328 : i32 to index
    %get3A_330 = arith.constant 96 : index
    %get3A_331 = tpu.vector_load %arg7[%get3A_329, %get3A_330] {strides = array<i32>} : memref<4x128xi32, #tpu.memory_space<vmem>>, vector<16xi32>,
    %shift_right_logical3A_332 = arith.constant 7 : i32
    %shift_right_logical3A_333 = vector.broadcast %shift_right_logical3A_332 : i32 to vector<16xi32>
    %shift_right_logical3A_334 = arith.shrui %get3A_331, %shift_right_logical3A_333 : vector<16xi32>
    %swap3A_335 = arith.constant 3 : i32
    %swap3A_336 = arith.index_cast %swap3A_335 : i32 to index
    %swap3A_337 = arith.constant 96 : index
    %swap3A_338 = tpu.vector_load %arg8[%swap3A_336, %swap3A_337] {strides = array<i32>} : memref<4x128xi32, #tpu.memory_space<vmem>>, vector<16xi32>,
    tpu.vector_store %arg8[%swap3A_336, %swap3A_337], %shift_right_logical3A_334 {strides = array<i32>} : memref<4x128xi32, #tpu.memory_space<vmem>>, vector<16xi32>,
    %get3A_339 = arith.constant 3 : i32
    %get3A_340 = arith.index_cast %get3A_339 : i32 to index
    %get3A_341 = arith.constant 112 : index
    %get3A_342 = tpu.vector_load %arg7[%get3A_340, %get3A_341] {strides = array<i32>} : memref<4x128xi32, #tpu.memory_space<vmem>>, vector<16xi32>,
    %shift_right_logical3A_343 = arith.constant 7 : i32
    %shift_right_logical3A_344 = vector.broadcast %shift_right_logical3A_343 : i32 to vector<16xi32>
    %shift_right_logical3A_345 = arith.shrui %get3A_342, %shift_right_logical3A_344 : vector<16xi32>
    %swap3A_346 = arith.constant 3 : i32
    %swap3A_347 = arith.index_cast %swap3A_346 : i32 to index
    %swap3A_348 = arith.constant 112 : index
    %swap3A_349 = tpu.vector_load %arg8[%swap3A_347, %swap3A_348] {strides = array<i32>} : memref<4x128xi32, #tpu.memory_space<vmem>>, vector<16xi32>,
    tpu.vector_store %arg8[%swap3A_347, %swap3A_348], %shift_right_logical3A_345 {strides = array<i32>} : memref<4x128xi32, #tpu.memory_space<vmem>>, vector<16xi32>,
    %iota3A = tpu.iota {dimensions = array<i32: 0>} : vector<16xi32>
    %dma_start3A = arith.constant 0 : i32
    %dma_start3A_350 = arith.constant 0 : i32
    %dma_start3A_351 = tpu.memref_slice %arg7[%dma_start3A, %dma_start3A_350] : memref<4x128xi32, #tpu.memory_space<vmem>> -> memref<1x128xi32, #tpu.memory_space<vmem>>
    %dma_start3A_352 = tpu.memref_squeeze %dma_start3A_351 : memref<1x128xi32, #tpu.memory_space<vmem>> -> memref<128xi32, #tpu.memory_space<vmem>>
    %dma_start3A_353 = arith.constant 0 : i32
    %dma_start3A_354 = arith.constant 0 : i32
    %dma_start3A_355 = tpu.memref_slice %arg3[%dma_start3A_353, %dma_start3A_354] : memref<400000x128xf32, #tpu.memory_space<hbm>> -> memref<400000x128xf32, #tpu.memory_space<hbm>>
    tpu.enqueue_indirect_dma source(%dma_start3A_355 : memref<400000x128xf32, #tpu.memory_space<hbm>>) target(%arg9 : memref<128x128xf32, #tpu.memory_space<vmem>>) offsets(%dma_start3A_352 : memref<128xi32, #tpu.memory_space<vmem>>) semaphore(%arg14 : memref<!tpu.dma_semaphore, #tpu.memory_space<semaphore_mem>>)
    %dma_start3A_356 = arith.constant 0 : i32
    %dma_start3A_357 = arith.constant 0 : i32
    %dma_start3A_358 = tpu.memref_slice %arg8[%dma_start3A_356, %dma_start3A_357] : memref<4x128xi32, #tpu.memory_space<vmem>> -> memref<1x128xi32, #tpu.memory_space<vmem>>
    %dma_start3A_359 = tpu.memref_squeeze %dma_start3A_358 : memref<1x128xi32, #tpu.memory_space<vmem>> -> memref<128xi32, #tpu.memory_space<vmem>>
    %dma_start3A_360 = arith.constant 0 : i32
    %dma_start3A_361 = arith.constant 0 : i32
    %dma_start3A_362 = tpu.memref_slice %arg4[%dma_start3A_360, %dma_start3A_361] : memref<3125x128xf32, #tpu.memory_space<hbm>> -> memref<3125x128xf32, #tpu.memory_space<hbm>>
    tpu.enqueue_indirect_dma source(%dma_start3A_362 : memref<3125x128xf32, #tpu.memory_space<hbm>>) target(%arg11 : memref<128x128xf32, #tpu.memory_space<vmem>>) offsets(%dma_start3A_359 : memref<128xi32, #tpu.memory_space<vmem>>) semaphore(%arg15 : memref<!tpu.dma_semaphore, #tpu.memory_space<semaphore_mem>>)
    %dma_start3A_363 = arith.constant 1 : i32
    %dma_start3A_364 = arith.constant 0 : i32
    %dma_start3A_365 = tpu.memref_slice %arg7[%dma_start3A_363, %dma_start3A_364] : memref<4x128xi32, #tpu.memory_space<vmem>> -> memref<1x128xi32, #tpu.memory_space<vmem>>
    %dma_start3A_366 = tpu.memref_squeeze %dma_start3A_365 : memref<1x128xi32, #tpu.memory_space<vmem>> -> memref<128xi32, #tpu.memory_space<vmem>>
    %dma_start3A_367 = arith.constant 0 : i32
    %dma_start3A_368 = arith.constant 0 : i32
    %dma_start3A_369 = tpu.memref_slice %arg3[%dma_start3A_367, %dma_start3A_368] : memref<400000x128xf32, #tpu.memory_space<hbm>> -> memref<400000x128xf32, #tpu.memory_space<hbm>>
    tpu.enqueue_indirect_dma source(%dma_start3A_369 : memref<400000x128xf32, #tpu.memory_space<hbm>>) target(%arg10 : memref<128x128xf32, #tpu.memory_space<vmem>>) offsets(%dma_start3A_366 : memref<128xi32, #tpu.memory_space<vmem>>) semaphore(%arg14 : memref<!tpu.dma_semaphore, #tpu.memory_space<semaphore_mem>>)
    %dma_start3A_370 = arith.constant 1 : i32
    %dma_start3A_371 = arith.constant 0 : i32
    %dma_start3A_372 = tpu.memref_slice %arg8[%dma_start3A_370, %dma_start3A_371] : memref<4x128xi32, #tpu.memory_space<vmem>> -> memref<1x128xi32, #tpu.memory_space<vmem>>
    %dma_start3A_373 = tpu.memref_squeeze %dma_start3A_372 : memref<1x128xi32, #tpu.memory_space<vmem>> -> memref<128xi32, #tpu.memory_space<vmem>>
    %dma_start3A_374 = arith.constant 0 : i32
    %dma_start3A_375 = arith.constant 0 : i32
    %dma_start3A_376 = tpu.memref_slice %arg4[%dma_start3A_374, %dma_start3A_375] : memref<3125x128xf32, #tpu.memory_space<hbm>> -> memref<3125x128xf32, #tpu.memory_space<hbm>>
    tpu.enqueue_indirect_dma source(%dma_start3A_376 : memref<3125x128xf32, #tpu.memory_space<hbm>>) target(%arg12 : memref<128x128xf32, #tpu.memory_space<vmem>>) offsets(%dma_start3A_373 : memref<128xi32, #tpu.memory_space<vmem>>) semaphore(%arg15 : memref<!tpu.dma_semaphore, #tpu.memory_space<semaphore_mem>>)
    %dma_wait3A = arith.constant 0 : i32
    %dma_wait3A_377 = arith.constant 0 : i32
    %dma_wait3A_378 = tpu.memref_slice %arg7[%dma_wait3A, %dma_wait3A_377] : memref<4x128xi32, #tpu.memory_space<vmem>> -> memref<1x128xi32, #tpu.memory_space<vmem>>
    %dma_wait3A_379 = tpu.memref_squeeze %dma_wait3A_378 : memref<1x128xi32, #tpu.memory_space<vmem>> -> memref<128xi32, #tpu.memory_space<vmem>>
    %dma_wait3A_380 = arith.constant 0 : i32
    %dma_wait3A_381 = arith.constant 0 : i32
    %dma_wait3A_382 = tpu.memref_slice %arg3[%dma_wait3A_380, %dma_wait3A_381] : memref<400000x128xf32, #tpu.memory_space<hbm>> -> memref<400000x128xf32, #tpu.memory_space<hbm>>
    tpu.wait_indirect_dma semaphore(%arg14 : memref<!tpu.dma_semaphore, #tpu.memory_space<semaphore_mem>>) src(%dma_wait3A_382 : memref<400000x128xf32, #tpu.memory_space<hbm>>) dst(%arg9 : memref<128x128xf32, #tpu.memory_space<vmem>>)
    %dma_wait3A_383 = arith.constant 0 : i32
    %dma_wait3A_384 = arith.constant 0 : i32
    %dma_wait3A_385 = tpu.memref_slice %arg8[%dma_wait3A_383, %dma_wait3A_384] : memref<4x128xi32, #tpu.memory_space<vmem>> -> memref<1x128xi32, #tpu.memory_space<vmem>>
    %dma_wait3A_386 = tpu.memref_squeeze %dma_wait3A_385 : memref<1x128xi32, #tpu.memory_space<vmem>> -> memref<128xi32, #tpu.memory_space<vmem>>
    %dma_wait3A_387 = arith.constant 0 : i32
    %dma_wait3A_388 = arith.constant 0 : i32
    %dma_wait3A_389 = tpu.memref_slice %arg4[%dma_wait3A_387, %dma_wait3A_388] : memref<3125x128xf32, #tpu.memory_space<hbm>> -> memref<3125x128xf32, #tpu.memory_space<hbm>>
    tpu.wait_indirect_dma semaphore(%arg15 : memref<!tpu.dma_semaphore, #tpu.memory_space<semaphore_mem>>) src(%dma_wait3A_389 : memref<3125x128xf32, #tpu.memory_space<hbm>>) dst(%arg11 : memref<128x128xf32, #tpu.memory_space<vmem>>)
    %broadcast_in_dim3A = arith.constant 0 : i32
    %broadcast_in_dim3A_390 = vector.broadcast %broadcast_in_dim3A : i32 to vector<16xi32>
    %add3A_391 = arith.addi %broadcast_in_dim3A_390, %iota3A : vector<16xi32>
    %get3A_392 = arith.constant 0 : i32
    %get3A_393 = arith.index_cast %get3A_392 : i32 to index
    %get3A_394 = arith.constant 0 : index
    %get3A_395 = tpu.vector_load %arg7[%get3A_393, %get3A_394] {strides = array<i32>} : memref<4x128xi32, #tpu.memory_space<vmem>>, vector<16xi32>,
    %and3A = arith.constant 127 : i32
    %and3A_396 = vector.broadcast %and3A : i32 to vector<16xi32>
    %and3A_397 = arith.andi %get3A_395, %and3A_396 : vector<16xi32>
    %gather3A = tpu.vector_load_idx %arg11[%add3A_391, %and3A_397] : memref<128x128xf32, #tpu.memory_space<vmem>>[vector<16xi32>, vector<16xi32>], vector<16xf32>,
    %swap3A_398 = arith.constant 0 : index
    %swap3A_399 = tpu.vector_load %arg13[%swap3A_398] {strides = array<i32>} : memref<512xf32, #tpu.memory_space<vmem>>, vector<16xf32>,
    tpu.vector_store %arg13[%swap3A_398], %gather3A {strides = array<i32>} : memref<512xf32, #tpu.memory_space<vmem>>, vector<16xf32>,
    %broadcast_in_dim3A_400 = arith.constant 16 : i32
    %broadcast_in_dim3A_401 = vector.broadcast %broadcast_in_dim3A_400 : i32 to vector<16xi32>
    %add3A_402 = arith.addi %broadcast_in_dim3A_401, %iota3A : vector<16xi32>
    %get3A_403 = arith.constant 0 : i32
    %get3A_404 = arith.index_cast %get3A_403 : i32 to index
    %get3A_405 = arith.constant 16 : index
    %get3A_406 = tpu.vector_load %arg7[%get3A_404, %get3A_405] {strides = array<i32>} : memref<4x128xi32, #tpu.memory_space<vmem>>, vector<16xi32>,
    %and3A_407 = arith.constant 127 : i32
    %and3A_408 = vector.broadcast %and3A_407 : i32 to vector<16xi32>
    %and3A_409 = arith.andi %get3A_406, %and3A_408 : vector<16xi32>
    %gather3A_410 = tpu.vector_load_idx %arg11[%add3A_402, %and3A_409] : memref<128x128xf32, #tpu.memory_space<vmem>>[vector<16xi32>, vector<16xi32>], vector<16xf32>,
    %swap3A_411 = arith.constant 16 : index
    %swap3A_412 = tpu.vector_load %arg13[%swap3A_411] {strides = array<i32>} : memref<512xf32, #tpu.memory_space<vmem>>, vector<16xf32>,
    tpu.vector_store %arg13[%swap3A_411], %gather3A_410 {strides = array<i32>} : memref<512xf32, #tpu.memory_space<vmem>>, vector<16xf32>,
    %broadcast_in_dim3A_413 = arith.constant 32 : i32
    %broadcast_in_dim3A_414 = vector.broadcast %broadcast_in_dim3A_413 : i32 to vector<16xi32>
    %add3A_415 = arith.addi %broadcast_in_dim3A_414, %iota3A : vector<16xi32>
    %get3A_416 = arith.constant 0 : i32
    %get3A_417 = arith.index_cast %get3A_416 : i32 to index
    %get3A_418 = arith.constant 32 : index
    %get3A_419 = tpu.vector_load %arg7[%get3A_417, %get3A_418] {strides = array<i32>} : memref<4x128xi32, #tpu.memory_space<vmem>>, vector<16xi32>,
    %and3A_420 = arith.constant 127 : i32
    %and3A_421 = vector.broadcast %and3A_420 : i32 to vector<16xi32>
    %and3A_422 = arith.andi %get3A_419, %and3A_421 : vector<16xi32>
    %gather3A_423 = tpu.vector_load_idx %arg11[%add3A_415, %and3A_422] : memref<128x128xf32, #tpu.memory_space<vmem>>[vector<16xi32>, vector<16xi32>], vector<16xf32>,
    %swap3A_424 = arith.constant 32 : index
    %swap3A_425 = tpu.vector_load %arg13[%swap3A_424] {strides = array<i32>} : memref<512xf32, #tpu.memory_space<vmem>>, vector<16xf32>,
    tpu.vector_store %arg13[%swap3A_424], %gather3A_423 {strides = array<i32>} : memref<512xf32, #tpu.memory_space<vmem>>, vector<16xf32>,
    %broadcast_in_dim3A_426 = arith.constant 48 : i32
    %broadcast_in_dim3A_427 = vector.broadcast %broadcast_in_dim3A_426 : i32 to vector<16xi32>
    %add3A_428 = arith.addi %broadcast_in_dim3A_427, %iota3A : vector<16xi32>
    %get3A_429 = arith.constant 0 : i32
    %get3A_430 = arith.index_cast %get3A_429 : i32 to index
    %get3A_431 = arith.constant 48 : index
    %get3A_432 = tpu.vector_load %arg7[%get3A_430, %get3A_431] {strides = array<i32>} : memref<4x128xi32, #tpu.memory_space<vmem>>, vector<16xi32>,
    %and3A_433 = arith.constant 127 : i32
    %and3A_434 = vector.broadcast %and3A_433 : i32 to vector<16xi32>
    %and3A_435 = arith.andi %get3A_432, %and3A_434 : vector<16xi32>
    %gather3A_436 = tpu.vector_load_idx %arg11[%add3A_428, %and3A_435] : memref<128x128xf32, #tpu.memory_space<vmem>>[vector<16xi32>, vector<16xi32>], vector<16xf32>,
    %swap3A_437 = arith.constant 48 : index
    %swap3A_438 = tpu.vector_load %arg13[%swap3A_437] {strides = array<i32>} : memref<512xf32, #tpu.memory_space<vmem>>, vector<16xf32>,
    tpu.vector_store %arg13[%swap3A_437], %gather3A_436 {strides = array<i32>} : memref<512xf32, #tpu.memory_space<vmem>>, vector<16xf32>,
    %broadcast_in_dim3A_439 = arith.constant 64 : i32
    %broadcast_in_dim3A_440 = vector.broadcast %broadcast_in_dim3A_439 : i32 to vector<16xi32>
    %add3A_441 = arith.addi %broadcast_in_dim3A_440, %iota3A : vector<16xi32>
    %get3A_442 = arith.constant 0 : i32
    %get3A_443 = arith.index_cast %get3A_442 : i32 to index
    %get3A_444 = arith.constant 64 : index
    %get3A_445 = tpu.vector_load %arg7[%get3A_443, %get3A_444] {strides = array<i32>} : memref<4x128xi32, #tpu.memory_space<vmem>>, vector<16xi32>,
    %and3A_446 = arith.constant 127 : i32
    %and3A_447 = vector.broadcast %and3A_446 : i32 to vector<16xi32>
    %and3A_448 = arith.andi %get3A_445, %and3A_447 : vector<16xi32>
    %gather3A_449 = tpu.vector_load_idx %arg11[%add3A_441, %and3A_448] : memref<128x128xf32, #tpu.memory_space<vmem>>[vector<16xi32>, vector<16xi32>], vector<16xf32>,
    %swap3A_450 = arith.constant 64 : index
    %swap3A_451 = tpu.vector_load %arg13[%swap3A_450] {strides = array<i32>} : memref<512xf32, #tpu.memory_space<vmem>>, vector<16xf32>,
    tpu.vector_store %arg13[%swap3A_450], %gather3A_449 {strides = array<i32>} : memref<512xf32, #tpu.memory_space<vmem>>, vector<16xf32>,
    %broadcast_in_dim3A_452 = arith.constant 80 : i32
    %broadcast_in_dim3A_453 = vector.broadcast %broadcast_in_dim3A_452 : i32 to vector<16xi32>
    %add3A_454 = arith.addi %broadcast_in_dim3A_453, %iota3A : vector<16xi32>
    %get3A_455 = arith.constant 0 : i32
    %get3A_456 = arith.index_cast %get3A_455 : i32 to index
    %get3A_457 = arith.constant 80 : index
    %get3A_458 = tpu.vector_load %arg7[%get3A_456, %get3A_457] {strides = array<i32>} : memref<4x128xi32, #tpu.memory_space<vmem>>, vector<16xi32>,
    %and3A_459 = arith.constant 127 : i32
    %and3A_460 = vector.broadcast %and3A_459 : i32 to vector<16xi32>
    %and3A_461 = arith.andi %get3A_458, %and3A_460 : vector<16xi32>
    %gather3A_462 = tpu.vector_load_idx %arg11[%add3A_454, %and3A_461] : memref<128x128xf32, #tpu.memory_space<vmem>>[vector<16xi32>, vector<16xi32>], vector<16xf32>,
    %swap3A_463 = arith.constant 80 : index
    %swap3A_464 = tpu.vector_load %arg13[%swap3A_463] {strides = array<i32>} : memref<512xf32, #tpu.memory_space<vmem>>, vector<16xf32>,
    tpu.vector_store %arg13[%swap3A_463], %gather3A_462 {strides = array<i32>} : memref<512xf32, #tpu.memory_space<vmem>>, vector<16xf32>,
    %broadcast_in_dim3A_465 = arith.constant 96 : i32
    %broadcast_in_dim3A_466 = vector.broadcast %broadcast_in_dim3A_465 : i32 to vector<16xi32>
    %add3A_467 = arith.addi %broadcast_in_dim3A_466, %iota3A : vector<16xi32>
    %get3A_468 = arith.constant 0 : i32
    %get3A_469 = arith.index_cast %get3A_468 : i32 to index
    %get3A_470 = arith.constant 96 : index
    %get3A_471 = tpu.vector_load %arg7[%get3A_469, %get3A_470] {strides = array<i32>} : memref<4x128xi32, #tpu.memory_space<vmem>>, vector<16xi32>,
    %and3A_472 = arith.constant 127 : i32
    %and3A_473 = vector.broadcast %and3A_472 : i32 to vector<16xi32>
    %and3A_474 = arith.andi %get3A_471, %and3A_473 : vector<16xi32>
    %gather3A_475 = tpu.vector_load_idx %arg11[%add3A_467, %and3A_474] : memref<128x128xf32, #tpu.memory_space<vmem>>[vector<16xi32>, vector<16xi32>], vector<16xf32>,
    %swap3A_476 = arith.constant 96 : index
    %swap3A_477 = tpu.vector_load %arg13[%swap3A_476] {strides = array<i32>} : memref<512xf32, #tpu.memory_space<vmem>>, vector<16xf32>,
    tpu.vector_store %arg13[%swap3A_476], %gather3A_475 {strides = array<i32>} : memref<512xf32, #tpu.memory_space<vmem>>, vector<16xf32>,
    %broadcast_in_dim3A_478 = arith.constant 112 : i32
    %broadcast_in_dim3A_479 = vector.broadcast %broadcast_in_dim3A_478 : i32 to vector<16xi32>
    %add3A_480 = arith.addi %broadcast_in_dim3A_479, %iota3A : vector<16xi32>
    %get3A_481 = arith.constant 0 : i32
    %get3A_482 = arith.index_cast %get3A_481 : i32 to index
    %get3A_483 = arith.constant 112 : index
    %get3A_484 = tpu.vector_load %arg7[%get3A_482, %get3A_483] {strides = array<i32>} : memref<4x128xi32, #tpu.memory_space<vmem>>, vector<16xi32>,
    %and3A_485 = arith.constant 127 : i32
    %and3A_486 = vector.broadcast %and3A_485 : i32 to vector<16xi32>
    %and3A_487 = arith.andi %get3A_484, %and3A_486 : vector<16xi32>
    %gather3A_488 = tpu.vector_load_idx %arg11[%add3A_480, %and3A_487] : memref<128x128xf32, #tpu.memory_space<vmem>>[vector<16xi32>, vector<16xi32>], vector<16xf32>,
    %swap3A_489 = arith.constant 112 : index
    %swap3A_490 = tpu.vector_load %arg13[%swap3A_489] {strides = array<i32>} : memref<512xf32, #tpu.memory_space<vmem>>, vector<16xf32>,
    tpu.vector_store %arg13[%swap3A_489], %gather3A_488 {strides = array<i32>} : memref<512xf32, #tpu.memory_space<vmem>>, vector<16xf32>,
    %mul3A_491 = arith.constant 512 : i32
    %mul3A_492 = arith.muli %add3A, %mul3A_491 : i32
    %add3A_493 = arith.constant 0 : i32
    %add3A_494 = arith.addi %mul3A_492, %add3A_493 : i32
    "tpu.region"() ({
      %run_scoped3A = tpu.sem_alloc : memref<!tpu.dma_semaphore, #tpu.memory_space<semaphore_mem>>
      %dma_start3A_889 = arith.constant 0 : i32
      %dma_start3A_890 = tpu.memref_slice %arg5[%add3A_494, %dma_start3A_889] : memref<16384x128xf32, #tpu.memory_space<hbm>> -> memref<128x128xf32, #tpu.memory_space<hbm>>
      %dma_start3A_891 = arith.constant 0 : i32
      %dma_start3A_892 = tpu.memref_slice %arg5[%add3A_494, %dma_start3A_891] : memref<16384x128xf32, #tpu.memory_space<hbm>> -> memref<128x128xf32, #tpu.memory_space<hbm>>
      tpu.enqueue_dma source(%arg9 : memref<128x128xf32, #tpu.memory_space<vmem>>) target(%dma_start3A_892 : memref<128x128xf32, #tpu.memory_space<hbm>>) target_semaphore(%run_scoped3A : memref<!tpu.dma_semaphore, #tpu.memory_space<semaphore_mem>>)
      %dma_wait3A_893 = arith.constant 0 : i32
      %dma_wait3A_894 = tpu.memref_slice %arg5[%add3A_494, %dma_wait3A_893] : memref<16384x128xf32, #tpu.memory_space<hbm>> -> memref<128x128xf32, #tpu.memory_space<hbm>>
      %dma_wait3A_895 = arith.constant 0 : i32
      %dma_wait3A_896 = tpu.memref_slice %arg5[%add3A_494, %dma_wait3A_895] : memref<16384x128xf32, #tpu.memory_space<hbm>> -> memref<128x128xf32, #tpu.memory_space<hbm>>
      tpu.wait_dma2 semaphore(%run_scoped3A : memref<!tpu.dma_semaphore, #tpu.memory_space<semaphore_mem>>) src(%arg9 : memref<128x128xf32, #tpu.memory_space<vmem>>) dst(%dma_wait3A_896 : memref<128x128xf32, #tpu.memory_space<hbm>>)
      tpu.yield
    }) : () -> ()
    %dma_start3A_495 = arith.constant 2 : i32
    %dma_start3A_496 = arith.constant 0 : i32
    %dma_start3A_497 = tpu.memref_slice %arg7[%dma_start3A_495, %dma_start3A_496] : memref<4x128xi32, #tpu.memory_space<vmem>> -> memref<1x128xi32, #tpu.memory_space<vmem>>
    %dma_start3A_498 = tpu.memref_squeeze %dma_start3A_497 : memref<1x128xi32, #tpu.memory_space<vmem>> -> memref<128xi32, #tpu.memory_space<vmem>>
    %dma_start3A_499 = arith.constant 0 : i32
    %dma_start3A_500 = arith.constant 0 : i32
    %dma_start3A_501 = tpu.memref_slice %arg3[%dma_start3A_499, %dma_start3A_500] : memref<400000x128xf32, #tpu.memory_space<hbm>> -> memref<400000x128xf32, #tpu.memory_space<hbm>>
    tpu.enqueue_indirect_dma source(%dma_start3A_501 : memref<400000x128xf32, #tpu.memory_space<hbm>>) target(%arg9 : memref<128x128xf32, #tpu.memory_space<vmem>>) offsets(%dma_start3A_498 : memref<128xi32, #tpu.memory_space<vmem>>) semaphore(%arg14 : memref<!tpu.dma_semaphore, #tpu.memory_space<semaphore_mem>>)
    %dma_start3A_502 = arith.constant 2 : i32
    %dma_start3A_503 = arith.constant 0 : i32
    %dma_start3A_504 = tpu.memref_slice %arg8[%dma_start3A_502, %dma_start3A_503] : memref<4x128xi32, #tpu.memory_space<vmem>> -> memref<1x128xi32, #tpu.memory_space<vmem>>
    %dma_start3A_505 = tpu.memref_squeeze %dma_start3A_504 : memref<1x128xi32, #tpu.memory_space<vmem>> -> memref<128xi32, #tpu.memory_space<vmem>>
    %dma_start3A_506 = arith.constant 0 : i32
    %dma_start3A_507 = arith.constant 0 : i32
    %dma_start3A_508 = tpu.memref_slice %arg4[%dma_start3A_506, %dma_start3A_507] : memref<3125x128xf32, #tpu.memory_space<hbm>> -> memref<3125x128xf32, #tpu.memory_space<hbm>>
    tpu.enqueue_indirect_dma source(%dma_start3A_508 : memref<3125x128xf32, #tpu.memory_space<hbm>>) target(%arg11 : memref<128x128xf32, #tpu.memory_space<vmem>>) offsets(%dma_start3A_505 : memref<128xi32, #tpu.memory_space<vmem>>) semaphore(%arg15 : memref<!tpu.dma_semaphore, #tpu.memory_space<semaphore_mem>>)
    %dma_wait3A_509 = arith.constant 1 : i32
    %dma_wait3A_510 = arith.constant 0 : i32
    %dma_wait3A_511 = tpu.memref_slice %arg7[%dma_wait3A_509, %dma_wait3A_510] : memref<4x128xi32, #tpu.memory_space<vmem>> -> memref<1x128xi32, #tpu.memory_space<vmem>>
    %dma_wait3A_512 = tpu.memref_squeeze %dma_wait3A_511 : memref<1x128xi32, #tpu.memory_space<vmem>> -> memref<128xi32, #tpu.memory_space<vmem>>
    %dma_wait3A_513 = arith.constant 0 : i32
    %dma_wait3A_514 = arith.constant 0 : i32
    %dma_wait3A_515 = tpu.memref_slice %arg3[%dma_wait3A_513, %dma_wait3A_514] : memref<400000x128xf32, #tpu.memory_space<hbm>> -> memref<400000x128xf32, #tpu.memory_space<hbm>>
    tpu.wait_indirect_dma semaphore(%arg14 : memref<!tpu.dma_semaphore, #tpu.memory_space<semaphore_mem>>) src(%dma_wait3A_515 : memref<400000x128xf32, #tpu.memory_space<hbm>>) dst(%arg10 : memref<128x128xf32, #tpu.memory_space<vmem>>)
    %dma_wait3A_516 = arith.constant 1 : i32
    %dma_wait3A_517 = arith.constant 0 : i32
    %dma_wait3A_518 = tpu.memref_slice %arg8[%dma_wait3A_516, %dma_wait3A_517] : memref<4x128xi32, #tpu.memory_space<vmem>> -> memref<1x128xi32, #tpu.memory_space<vmem>>
    %dma_wait3A_519 = tpu.memref_squeeze %dma_wait3A_518 : memref<1x128xi32, #tpu.memory_space<vmem>> -> memref<128xi32, #tpu.memory_space<vmem>>
    %dma_wait3A_520 = arith.constant 0 : i32
    %dma_wait3A_521 = arith.constant 0 : i32
    %dma_wait3A_522 = tpu.memref_slice %arg4[%dma_wait3A_520, %dma_wait3A_521] : memref<3125x128xf32, #tpu.memory_space<hbm>> -> memref<3125x128xf32, #tpu.memory_space<hbm>>
    tpu.wait_indirect_dma semaphore(%arg15 : memref<!tpu.dma_semaphore, #tpu.memory_space<semaphore_mem>>) src(%dma_wait3A_522 : memref<3125x128xf32, #tpu.memory_space<hbm>>) dst(%arg12 : memref<128x128xf32, #tpu.memory_space<vmem>>)
    %broadcast_in_dim3A_523 = arith.constant 0 : i32
    %broadcast_in_dim3A_524 = vector.broadcast %broadcast_in_dim3A_523 : i32 to vector<16xi32>
    %add3A_525 = arith.addi %broadcast_in_dim3A_524, %iota3A : vector<16xi32>
    %get3A_526 = arith.constant 1 : i32
    %get3A_527 = arith.index_cast %get3A_526 : i32 to index
    %get3A_528 = arith.constant 0 : index
    %get3A_529 = tpu.vector_load %arg7[%get3A_527, %get3A_528] {strides = array<i32>} : memref<4x128xi32, #tpu.memory_space<vmem>>, vector<16xi32>,
    %and3A_530 = arith.constant 127 : i32
    %and3A_531 = vector.broadcast %and3A_530 : i32 to vector<16xi32>
    %and3A_532 = arith.andi %get3A_529, %and3A_531 : vector<16xi32>
    %gather3A_533 = tpu.vector_load_idx %arg12[%add3A_525, %and3A_532] : memref<128x128xf32, #tpu.memory_space<vmem>>[vector<16xi32>, vector<16xi32>], vector<16xf32>,
    %swap3A_534 = arith.constant 128 : index
    %swap3A_535 = tpu.vector_load %arg13[%swap3A_534] {strides = array<i32>} : memref<512xf32, #tpu.memory_space<vmem>>, vector<16xf32>,
    tpu.vector_store %arg13[%swap3A_534], %gather3A_533 {strides = array<i32>} : memref<512xf32, #tpu.memory_space<vmem>>, vector<16xf32>,
    %broadcast_in_dim3A_536 = arith.constant 16 : i32
    %broadcast_in_dim3A_537 = vector.broadcast %broadcast_in_dim3A_536 : i32 to vector<16xi32>
    %add3A_538 = arith.addi %broadcast_in_dim3A_537, %iota3A : vector<16xi32>
    %get3A_539 = arith.constant 1 : i32
    %get3A_540 = arith.index_cast %get3A_539 : i32 to index
    %get3A_541 = arith.constant 16 : index
    %get3A_542 = tpu.vector_load %arg7[%get3A_540, %get3A_541] {strides = array<i32>} : memref<4x128xi32, #tpu.memory_space<vmem>>, vector<16xi32>,
    %and3A_543 = arith.constant 127 : i32
    %and3A_544 = vector.broadcast %and3A_543 : i32 to vector<16xi32>
    %and3A_545 = arith.andi %get3A_542, %and3A_544 : vector<16xi32>
    %gather3A_546 = tpu.vector_load_idx %arg12[%add3A_538, %and3A_545] : memref<128x128xf32, #tpu.memory_space<vmem>>[vector<16xi32>, vector<16xi32>], vector<16xf32>,
    %swap3A_547 = arith.constant 144 : index
    %swap3A_548 = tpu.vector_load %arg13[%swap3A_547] {strides = array<i32>} : memref<512xf32, #tpu.memory_space<vmem>>, vector<16xf32>,
    tpu.vector_store %arg13[%swap3A_547], %gather3A_546 {strides = array<i32>} : memref<512xf32, #tpu.memory_space<vmem>>, vector<16xf32>,
    %broadcast_in_dim3A_549 = arith.constant 32 : i32
    %broadcast_in_dim3A_550 = vector.broadcast %broadcast_in_dim3A_549 : i32 to vector<16xi32>
    %add3A_551 = arith.addi %broadcast_in_dim3A_550, %iota3A : vector<16xi32>
    %get3A_552 = arith.constant 1 : i32
    %get3A_553 = arith.index_cast %get3A_552 : i32 to index
    %get3A_554 = arith.constant 32 : index
    %get3A_555 = tpu.vector_load %arg7[%get3A_553, %get3A_554] {strides = array<i32>} : memref<4x128xi32, #tpu.memory_space<vmem>>, vector<16xi32>,
    %and3A_556 = arith.constant 127 : i32
    %and3A_557 = vector.broadcast %and3A_556 : i32 to vector<16xi32>
    %and3A_558 = arith.andi %get3A_555, %and3A_557 : vector<16xi32>
    %gather3A_559 = tpu.vector_load_idx %arg12[%add3A_551, %and3A_558] : memref<128x128xf32, #tpu.memory_space<vmem>>[vector<16xi32>, vector<16xi32>], vector<16xf32>,
    %swap3A_560 = arith.constant 160 : index
    %swap3A_561 = tpu.vector_load %arg13[%swap3A_560] {strides = array<i32>} : memref<512xf32, #tpu.memory_space<vmem>>, vector<16xf32>,
    tpu.vector_store %arg13[%swap3A_560], %gather3A_559 {strides = array<i32>} : memref<512xf32, #tpu.memory_space<vmem>>, vector<16xf32>,
    %broadcast_in_dim3A_562 = arith.constant 48 : i32
    %broadcast_in_dim3A_563 = vector.broadcast %broadcast_in_dim3A_562 : i32 to vector<16xi32>
    %add3A_564 = arith.addi %broadcast_in_dim3A_563, %iota3A : vector<16xi32>
    %get3A_565 = arith.constant 1 : i32
    %get3A_566 = arith.index_cast %get3A_565 : i32 to index
    %get3A_567 = arith.constant 48 : index
    %get3A_568 = tpu.vector_load %arg7[%get3A_566, %get3A_567] {strides = array<i32>} : memref<4x128xi32, #tpu.memory_space<vmem>>, vector<16xi32>,
    %and3A_569 = arith.constant 127 : i32
    %and3A_570 = vector.broadcast %and3A_569 : i32 to vector<16xi32>
    %and3A_571 = arith.andi %get3A_568, %and3A_570 : vector<16xi32>
    %gather3A_572 = tpu.vector_load_idx %arg12[%add3A_564, %and3A_571] : memref<128x128xf32, #tpu.memory_space<vmem>>[vector<16xi32>, vector<16xi32>], vector<16xf32>,
    %swap3A_573 = arith.constant 176 : index
    %swap3A_574 = tpu.vector_load %arg13[%swap3A_573] {strides = array<i32>} : memref<512xf32, #tpu.memory_space<vmem>>, vector<16xf32>,
    tpu.vector_store %arg13[%swap3A_573], %gather3A_572 {strides = array<i32>} : memref<512xf32, #tpu.memory_space<vmem>>, vector<16xf32>,
    %broadcast_in_dim3A_575 = arith.constant 64 : i32
    %broadcast_in_dim3A_576 = vector.broadcast %broadcast_in_dim3A_575 : i32 to vector<16xi32>
    %add3A_577 = arith.addi %broadcast_in_dim3A_576, %iota3A : vector<16xi32>
    %get3A_578 = arith.constant 1 : i32
    %get3A_579 = arith.index_cast %get3A_578 : i32 to index
    %get3A_580 = arith.constant 64 : index
    %get3A_581 = tpu.vector_load %arg7[%get3A_579, %get3A_580] {strides = array<i32>} : memref<4x128xi32, #tpu.memory_space<vmem>>, vector<16xi32>,
    %and3A_582 = arith.constant 127 : i32
    %and3A_583 = vector.broadcast %and3A_582 : i32 to vector<16xi32>
    %and3A_584 = arith.andi %get3A_581, %and3A_583 : vector<16xi32>
    %gather3A_585 = tpu.vector_load_idx %arg12[%add3A_577, %and3A_584] : memref<128x128xf32, #tpu.memory_space<vmem>>[vector<16xi32>, vector<16xi32>], vector<16xf32>,
    %swap3A_586 = arith.constant 192 : index
    %swap3A_587 = tpu.vector_load %arg13[%swap3A_586] {strides = array<i32>} : memref<512xf32, #tpu.memory_space<vmem>>, vector<16xf32>,
    tpu.vector_store %arg13[%swap3A_586], %gather3A_585 {strides = array<i32>} : memref<512xf32, #tpu.memory_space<vmem>>, vector<16xf32>,
    %broadcast_in_dim3A_588 = arith.constant 80 : i32
    %broadcast_in_dim3A_589 = vector.broadcast %broadcast_in_dim3A_588 : i32 to vector<16xi32>
    %add3A_590 = arith.addi %broadcast_in_dim3A_589, %iota3A : vector<16xi32>
    %get3A_591 = arith.constant 1 : i32
    %get3A_592 = arith.index_cast %get3A_591 : i32 to index
    %get3A_593 = arith.constant 80 : index
    %get3A_594 = tpu.vector_load %arg7[%get3A_592, %get3A_593] {strides = array<i32>} : memref<4x128xi32, #tpu.memory_space<vmem>>, vector<16xi32>,
    %and3A_595 = arith.constant 127 : i32
    %and3A_596 = vector.broadcast %and3A_595 : i32 to vector<16xi32>
    %and3A_597 = arith.andi %get3A_594, %and3A_596 : vector<16xi32>
    %gather3A_598 = tpu.vector_load_idx %arg12[%add3A_590, %and3A_597] : memref<128x128xf32, #tpu.memory_space<vmem>>[vector<16xi32>, vector<16xi32>], vector<16xf32>,
    %swap3A_599 = arith.constant 208 : index
    %swap3A_600 = tpu.vector_load %arg13[%swap3A_599] {strides = array<i32>} : memref<512xf32, #tpu.memory_space<vmem>>, vector<16xf32>,
    tpu.vector_store %arg13[%swap3A_599], %gather3A_598 {strides = array<i32>} : memref<512xf32, #tpu.memory_space<vmem>>, vector<16xf32>,
    %broadcast_in_dim3A_601 = arith.constant 96 : i32
    %broadcast_in_dim3A_602 = vector.broadcast %broadcast_in_dim3A_601 : i32 to vector<16xi32>
    %add3A_603 = arith.addi %broadcast_in_dim3A_602, %iota3A : vector<16xi32>
    %get3A_604 = arith.constant 1 : i32
    %get3A_605 = arith.index_cast %get3A_604 : i32 to index
    %get3A_606 = arith.constant 96 : index
    %get3A_607 = tpu.vector_load %arg7[%get3A_605, %get3A_606] {strides = array<i32>} : memref<4x128xi32, #tpu.memory_space<vmem>>, vector<16xi32>,
    %and3A_608 = arith.constant 127 : i32
    %and3A_609 = vector.broadcast %and3A_608 : i32 to vector<16xi32>
    %and3A_610 = arith.andi %get3A_607, %and3A_609 : vector<16xi32>
    %gather3A_611 = tpu.vector_load_idx %arg12[%add3A_603, %and3A_610] : memref<128x128xf32, #tpu.memory_space<vmem>>[vector<16xi32>, vector<16xi32>], vector<16xf32>,
    %swap3A_612 = arith.constant 224 : index
    %swap3A_613 = tpu.vector_load %arg13[%swap3A_612] {strides = array<i32>} : memref<512xf32, #tpu.memory_space<vmem>>, vector<16xf32>,
    tpu.vector_store %arg13[%swap3A_612], %gather3A_611 {strides = array<i32>} : memref<512xf32, #tpu.memory_space<vmem>>, vector<16xf32>,
    %broadcast_in_dim3A_614 = arith.constant 112 : i32
    %broadcast_in_dim3A_615 = vector.broadcast %broadcast_in_dim3A_614 : i32 to vector<16xi32>
    %add3A_616 = arith.addi %broadcast_in_dim3A_615, %iota3A : vector<16xi32>
    %get3A_617 = arith.constant 1 : i32
    %get3A_618 = arith.index_cast %get3A_617 : i32 to index
    %get3A_619 = arith.constant 112 : index
    %get3A_620 = tpu.vector_load %arg7[%get3A_618, %get3A_619] {strides = array<i32>} : memref<4x128xi32, #tpu.memory_space<vmem>>, vector<16xi32>,
    %and3A_621 = arith.constant 127 : i32
    %and3A_622 = vector.broadcast %and3A_621 : i32 to vector<16xi32>
    %and3A_623 = arith.andi %get3A_620, %and3A_622 : vector<16xi32>
    %gather3A_624 = tpu.vector_load_idx %arg12[%add3A_616, %and3A_623] : memref<128x128xf32, #tpu.memory_space<vmem>>[vector<16xi32>, vector<16xi32>], vector<16xf32>,
    %swap3A_625 = arith.constant 240 : index
    %swap3A_626 = tpu.vector_load %arg13[%swap3A_625] {strides = array<i32>} : memref<512xf32, #tpu.memory_space<vmem>>, vector<16xf32>,
    tpu.vector_store %arg13[%swap3A_625], %gather3A_624 {strides = array<i32>} : memref<512xf32, #tpu.memory_space<vmem>>, vector<16xf32>,
    %mul3A_627 = arith.constant 512 : i32
    %mul3A_628 = arith.muli %add3A, %mul3A_627 : i32
    %add3A_629 = arith.constant 128 : i32
    %add3A_630 = arith.addi %mul3A_628, %add3A_629 : i32
    "tpu.region"() ({
      %run_scoped3A = tpu.sem_alloc : memref<!tpu.dma_semaphore, #tpu.memory_space<semaphore_mem>>
      %dma_start3A_889 = arith.constant 0 : i32
      %dma_start3A_890 = tpu.memref_slice %arg5[%add3A_630, %dma_start3A_889] : memref<16384x128xf32, #tpu.memory_space<hbm>> -> memref<128x128xf32, #tpu.memory_space<hbm>>
      %dma_start3A_891 = arith.constant 0 : i32
      %dma_start3A_892 = tpu.memref_slice %arg5[%add3A_630, %dma_start3A_891] : memref<16384x128xf32, #tpu.memory_space<hbm>> -> memref<128x128xf32, #tpu.memory_space<hbm>>
      tpu.enqueue_dma source(%arg10 : memref<128x128xf32, #tpu.memory_space<vmem>>) target(%dma_start3A_892 : memref<128x128xf32, #tpu.memory_space<hbm>>) target_semaphore(%run_scoped3A : memref<!tpu.dma_semaphore, #tpu.memory_space<semaphore_mem>>)
      %dma_wait3A_893 = arith.constant 0 : i32
      %dma_wait3A_894 = tpu.memref_slice %arg5[%add3A_630, %dma_wait3A_893] : memref<16384x128xf32, #tpu.memory_space<hbm>> -> memref<128x128xf32, #tpu.memory_space<hbm>>
      %dma_wait3A_895 = arith.constant 0 : i32
      %dma_wait3A_896 = tpu.memref_slice %arg5[%add3A_630, %dma_wait3A_895] : memref<16384x128xf32, #tpu.memory_space<hbm>> -> memref<128x128xf32, #tpu.memory_space<hbm>>
      tpu.wait_dma2 semaphore(%run_scoped3A : memref<!tpu.dma_semaphore, #tpu.memory_space<semaphore_mem>>) src(%arg10 : memref<128x128xf32, #tpu.memory_space<vmem>>) dst(%dma_wait3A_896 : memref<128x128xf32, #tpu.memory_space<hbm>>)
      tpu.yield
    }) : () -> ()
    %dma_start3A_631 = arith.constant 3 : i32
    %dma_start3A_632 = arith.constant 0 : i32
    %dma_start3A_633 = tpu.memref_slice %arg7[%dma_start3A_631, %dma_start3A_632] : memref<4x128xi32, #tpu.memory_space<vmem>> -> memref<1x128xi32, #tpu.memory_space<vmem>>
    %dma_start3A_634 = tpu.memref_squeeze %dma_start3A_633 : memref<1x128xi32, #tpu.memory_space<vmem>> -> memref<128xi32, #tpu.memory_space<vmem>>
    %dma_start3A_635 = arith.constant 0 : i32
    %dma_start3A_636 = arith.constant 0 : i32
    %dma_start3A_637 = tpu.memref_slice %arg3[%dma_start3A_635, %dma_start3A_636] : memref<400000x128xf32, #tpu.memory_space<hbm>> -> memref<400000x128xf32, #tpu.memory_space<hbm>>
    tpu.enqueue_indirect_dma source(%dma_start3A_637 : memref<400000x128xf32, #tpu.memory_space<hbm>>) target(%arg10 : memref<128x128xf32, #tpu.memory_space<vmem>>) offsets(%dma_start3A_634 : memref<128xi32, #tpu.memory_space<vmem>>) semaphore(%arg14 : memref<!tpu.dma_semaphore, #tpu.memory_space<semaphore_mem>>)
    %dma_start3A_638 = arith.constant 3 : i32
    %dma_start3A_639 = arith.constant 0 : i32
    %dma_start3A_640 = tpu.memref_slice %arg8[%dma_start3A_638, %dma_start3A_639] : memref<4x128xi32, #tpu.memory_space<vmem>> -> memref<1x128xi32, #tpu.memory_space<vmem>>
    %dma_start3A_641 = tpu.memref_squeeze %dma_start3A_640 : memref<1x128xi32, #tpu.memory_space<vmem>> -> memref<128xi32, #tpu.memory_space<vmem>>
    %dma_start3A_642 = arith.constant 0 : i32
    %dma_start3A_643 = arith.constant 0 : i32
    %dma_start3A_644 = tpu.memref_slice %arg4[%dma_start3A_642, %dma_start3A_643] : memref<3125x128xf32, #tpu.memory_space<hbm>> -> memref<3125x128xf32, #tpu.memory_space<hbm>>
    tpu.enqueue_indirect_dma source(%dma_start3A_644 : memref<3125x128xf32, #tpu.memory_space<hbm>>) target(%arg12 : memref<128x128xf32, #tpu.memory_space<vmem>>) offsets(%dma_start3A_641 : memref<128xi32, #tpu.memory_space<vmem>>) semaphore(%arg15 : memref<!tpu.dma_semaphore, #tpu.memory_space<semaphore_mem>>)
    %dma_wait3A_645 = arith.constant 2 : i32
    %dma_wait3A_646 = arith.constant 0 : i32
    %dma_wait3A_647 = tpu.memref_slice %arg7[%dma_wait3A_645, %dma_wait3A_646] : memref<4x128xi32, #tpu.memory_space<vmem>> -> memref<1x128xi32, #tpu.memory_space<vmem>>
    %dma_wait3A_648 = tpu.memref_squeeze %dma_wait3A_647 : memref<1x128xi32, #tpu.memory_space<vmem>> -> memref<128xi32, #tpu.memory_space<vmem>>
    %dma_wait3A_649 = arith.constant 0 : i32
    %dma_wait3A_650 = arith.constant 0 : i32
    %dma_wait3A_651 = tpu.memref_slice %arg3[%dma_wait3A_649, %dma_wait3A_650] : memref<400000x128xf32, #tpu.memory_space<hbm>> -> memref<400000x128xf32, #tpu.memory_space<hbm>>
    tpu.wait_indirect_dma semaphore(%arg14 : memref<!tpu.dma_semaphore, #tpu.memory_space<semaphore_mem>>) src(%dma_wait3A_651 : memref<400000x128xf32, #tpu.memory_space<hbm>>) dst(%arg9 : memref<128x128xf32, #tpu.memory_space<vmem>>)
    %dma_wait3A_652 = arith.constant 2 : i32
    %dma_wait3A_653 = arith.constant 0 : i32
    %dma_wait3A_654 = tpu.memref_slice %arg8[%dma_wait3A_652, %dma_wait3A_653] : memref<4x128xi32, #tpu.memory_space<vmem>> -> memref<1x128xi32, #tpu.memory_space<vmem>>
    %dma_wait3A_655 = tpu.memref_squeeze %dma_wait3A_654 : memref<1x128xi32, #tpu.memory_space<vmem>> -> memref<128xi32, #tpu.memory_space<vmem>>
    %dma_wait3A_656 = arith.constant 0 : i32
    %dma_wait3A_657 = arith.constant 0 : i32
    %dma_wait3A_658 = tpu.memref_slice %arg4[%dma_wait3A_656, %dma_wait3A_657] : memref<3125x128xf32, #tpu.memory_space<hbm>> -> memref<3125x128xf32, #tpu.memory_space<hbm>>
    tpu.wait_indirect_dma semaphore(%arg15 : memref<!tpu.dma_semaphore, #tpu.memory_space<semaphore_mem>>) src(%dma_wait3A_658 : memref<3125x128xf32, #tpu.memory_space<hbm>>) dst(%arg11 : memref<128x128xf32, #tpu.memory_space<vmem>>)
    %broadcast_in_dim3A_659 = arith.constant 0 : i32
    %broadcast_in_dim3A_660 = vector.broadcast %broadcast_in_dim3A_659 : i32 to vector<16xi32>
    %add3A_661 = arith.addi %broadcast_in_dim3A_660, %iota3A : vector<16xi32>
    %get3A_662 = arith.constant 2 : i32
    %get3A_663 = arith.index_cast %get3A_662 : i32 to index
    %get3A_664 = arith.constant 0 : index
    %get3A_665 = tpu.vector_load %arg7[%get3A_663, %get3A_664] {strides = array<i32>} : memref<4x128xi32, #tpu.memory_space<vmem>>, vector<16xi32>,
    %and3A_666 = arith.constant 127 : i32
    %and3A_667 = vector.broadcast %and3A_666 : i32 to vector<16xi32>
    %and3A_668 = arith.andi %get3A_665, %and3A_667 : vector<16xi32>
    %gather3A_669 = tpu.vector_load_idx %arg11[%add3A_661, %and3A_668] : memref<128x128xf32, #tpu.memory_space<vmem>>[vector<16xi32>, vector<16xi32>], vector<16xf32>,
    %swap3A_670 = arith.constant 256 : index
    %swap3A_671 = tpu.vector_load %arg13[%swap3A_670] {strides = array<i32>} : memref<512xf32, #tpu.memory_space<vmem>>, vector<16xf32>,
    tpu.vector_store %arg13[%swap3A_670], %gather3A_669 {strides = array<i32>} : memref<512xf32, #tpu.memory_space<vmem>>, vector<16xf32>,
    %broadcast_in_dim3A_672 = arith.constant 16 : i32
    %broadcast_in_dim3A_673 = vector.broadcast %broadcast_in_dim3A_672 : i32 to vector<16xi32>
    %add3A_674 = arith.addi %broadcast_in_dim3A_673, %iota3A : vector<16xi32>
    %get3A_675 = arith.constant 2 : i32
    %get3A_676 = arith.index_cast %get3A_675 : i32 to index
    %get3A_677 = arith.constant 16 : index
    %get3A_678 = tpu.vector_load %arg7[%get3A_676, %get3A_677] {strides = array<i32>} : memref<4x128xi32, #tpu.memory_space<vmem>>, vector<16xi32>,
    %and3A_679 = arith.constant 127 : i32
    %and3A_680 = vector.broadcast %and3A_679 : i32 to vector<16xi32>
    %and3A_681 = arith.andi %get3A_678, %and3A_680 : vector<16xi32>
    %gather3A_682 = tpu.vector_load_idx %arg11[%add3A_674, %and3A_681] : memref<128x128xf32, #tpu.memory_space<vmem>>[vector<16xi32>, vector<16xi32>], vector<16xf32>,
    %swap3A_683 = arith.constant 272 : index
    %swap3A_684 = tpu.vector_load %arg13[%swap3A_683] {strides = array<i32>} : memref<512xf32, #tpu.memory_space<vmem>>, vector<16xf32>,
    tpu.vector_store %arg13[%swap3A_683], %gather3A_682 {strides = array<i32>} : memref<512xf32, #tpu.memory_space<vmem>>, vector<16xf32>,
    %broadcast_in_dim3A_685 = arith.constant 32 : i32
    %broadcast_in_dim3A_686 = vector.broadcast %broadcast_in_dim3A_685 : i32 to vector<16xi32>
    %add3A_687 = arith.addi %broadcast_in_dim3A_686, %iota3A : vector<16xi32>
    %get3A_688 = arith.constant 2 : i32
    %get3A_689 = arith.index_cast %get3A_688 : i32 to index
    %get3A_690 = arith.constant 32 : index
    %get3A_691 = tpu.vector_load %arg7[%get3A_689, %get3A_690] {strides = array<i32>} : memref<4x128xi32, #tpu.memory_space<vmem>>, vector<16xi32>,
    %and3A_692 = arith.constant 127 : i32
    %and3A_693 = vector.broadcast %and3A_692 : i32 to vector<16xi32>
    %and3A_694 = arith.andi %get3A_691, %and3A_693 : vector<16xi32>
    %gather3A_695 = tpu.vector_load_idx %arg11[%add3A_687, %and3A_694] : memref<128x128xf32, #tpu.memory_space<vmem>>[vector<16xi32>, vector<16xi32>], vector<16xf32>,
    %swap3A_696 = arith.constant 288 : index
    %swap3A_697 = tpu.vector_load %arg13[%swap3A_696] {strides = array<i32>} : memref<512xf32, #tpu.memory_space<vmem>>, vector<16xf32>,
    tpu.vector_store %arg13[%swap3A_696], %gather3A_695 {strides = array<i32>} : memref<512xf32, #tpu.memory_space<vmem>>, vector<16xf32>,
    %broadcast_in_dim3A_698 = arith.constant 48 : i32
    %broadcast_in_dim3A_699 = vector.broadcast %broadcast_in_dim3A_698 : i32 to vector<16xi32>
    %add3A_700 = arith.addi %broadcast_in_dim3A_699, %iota3A : vector<16xi32>
    %get3A_701 = arith.constant 2 : i32
    %get3A_702 = arith.index_cast %get3A_701 : i32 to index
    %get3A_703 = arith.constant 48 : index
    %get3A_704 = tpu.vector_load %arg7[%get3A_702, %get3A_703] {strides = array<i32>} : memref<4x128xi32, #tpu.memory_space<vmem>>, vector<16xi32>,
    %and3A_705 = arith.constant 127 : i32
    %and3A_706 = vector.broadcast %and3A_705 : i32 to vector<16xi32>
    %and3A_707 = arith.andi %get3A_704, %and3A_706 : vector<16xi32>
    %gather3A_708 = tpu.vector_load_idx %arg11[%add3A_700, %and3A_707] : memref<128x128xf32, #tpu.memory_space<vmem>>[vector<16xi32>, vector<16xi32>], vector<16xf32>,
    %swap3A_709 = arith.constant 304 : index
    %swap3A_710 = tpu.vector_load %arg13[%swap3A_709] {strides = array<i32>} : memref<512xf32, #tpu.memory_space<vmem>>, vector<16xf32>,
    tpu.vector_store %arg13[%swap3A_709], %gather3A_708 {strides = array<i32>} : memref<512xf32, #tpu.memory_space<vmem>>, vector<16xf32>,
    %broadcast_in_dim3A_711 = arith.constant 64 : i32
    %broadcast_in_dim3A_712 = vector.broadcast %broadcast_in_dim3A_711 : i32 to vector<16xi32>
    %add3A_713 = arith.addi %broadcast_in_dim3A_712, %iota3A : vector<16xi32>
    %get3A_714 = arith.constant 2 : i32
    %get3A_715 = arith.index_cast %get3A_714 : i32 to index
    %get3A_716 = arith.constant 64 : index
    %get3A_717 = tpu.vector_load %arg7[%get3A_715, %get3A_716] {strides = array<i32>} : memref<4x128xi32, #tpu.memory_space<vmem>>, vector<16xi32>,
    %and3A_718 = arith.constant 127 : i32
    %and3A_719 = vector.broadcast %and3A_718 : i32 to vector<16xi32>
    %and3A_720 = arith.andi %get3A_717, %and3A_719 : vector<16xi32>
    %gather3A_721 = tpu.vector_load_idx %arg11[%add3A_713, %and3A_720] : memref<128x128xf32, #tpu.memory_space<vmem>>[vector<16xi32>, vector<16xi32>], vector<16xf32>,
    %swap3A_722 = arith.constant 320 : index
    %swap3A_723 = tpu.vector_load %arg13[%swap3A_722] {strides = array<i32>} : memref<512xf32, #tpu.memory_space<vmem>>, vector<16xf32>,
    tpu.vector_store %arg13[%swap3A_722], %gather3A_721 {strides = array<i32>} : memref<512xf32, #tpu.memory_space<vmem>>, vector<16xf32>,
    %broadcast_in_dim3A_724 = arith.constant 80 : i32
    %broadcast_in_dim3A_725 = vector.broadcast %broadcast_in_dim3A_724 : i32 to vector<16xi32>
    %add3A_726 = arith.addi %broadcast_in_dim3A_725, %iota3A : vector<16xi32>
    %get3A_727 = arith.constant 2 : i32
    %get3A_728 = arith.index_cast %get3A_727 : i32 to index
    %get3A_729 = arith.constant 80 : index
    %get3A_730 = tpu.vector_load %arg7[%get3A_728, %get3A_729] {strides = array<i32>} : memref<4x128xi32, #tpu.memory_space<vmem>>, vector<16xi32>,
    %and3A_731 = arith.constant 127 : i32
    %and3A_732 = vector.broadcast %and3A_731 : i32 to vector<16xi32>
    %and3A_733 = arith.andi %get3A_730, %and3A_732 : vector<16xi32>
    %gather3A_734 = tpu.vector_load_idx %arg11[%add3A_726, %and3A_733] : memref<128x128xf32, #tpu.memory_space<vmem>>[vector<16xi32>, vector<16xi32>], vector<16xf32>,
    %swap3A_735 = arith.constant 336 : index
    %swap3A_736 = tpu.vector_load %arg13[%swap3A_735] {strides = array<i32>} : memref<512xf32, #tpu.memory_space<vmem>>, vector<16xf32>,
    tpu.vector_store %arg13[%swap3A_735], %gather3A_734 {strides = array<i32>} : memref<512xf32, #tpu.memory_space<vmem>>, vector<16xf32>,
    %broadcast_in_dim3A_737 = arith.constant 96 : i32
    %broadcast_in_dim3A_738 = vector.broadcast %broadcast_in_dim3A_737 : i32 to vector<16xi32>
    %add3A_739 = arith.addi %broadcast_in_dim3A_738, %iota3A : vector<16xi32>
    %get3A_740 = arith.constant 2 : i32
    %get3A_741 = arith.index_cast %get3A_740 : i32 to index
    %get3A_742 = arith.constant 96 : index
    %get3A_743 = tpu.vector_load %arg7[%get3A_741, %get3A_742] {strides = array<i32>} : memref<4x128xi32, #tpu.memory_space<vmem>>, vector<16xi32>,
    %and3A_744 = arith.constant 127 : i32
    %and3A_745 = vector.broadcast %and3A_744 : i32 to vector<16xi32>
    %and3A_746 = arith.andi %get3A_743, %and3A_745 : vector<16xi32>
    %gather3A_747 = tpu.vector_load_idx %arg11[%add3A_739, %and3A_746] : memref<128x128xf32, #tpu.memory_space<vmem>>[vector<16xi32>, vector<16xi32>], vector<16xf32>,
    %swap3A_748 = arith.constant 352 : index
    %swap3A_749 = tpu.vector_load %arg13[%swap3A_748] {strides = array<i32>} : memref<512xf32, #tpu.memory_space<vmem>>, vector<16xf32>,
    tpu.vector_store %arg13[%swap3A_748], %gather3A_747 {strides = array<i32>} : memref<512xf32, #tpu.memory_space<vmem>>, vector<16xf32>,
    %broadcast_in_dim3A_750 = arith.constant 112 : i32
    %broadcast_in_dim3A_751 = vector.broadcast %broadcast_in_dim3A_750 : i32 to vector<16xi32>
    %add3A_752 = arith.addi %broadcast_in_dim3A_751, %iota3A : vector<16xi32>
    %get3A_753 = arith.constant 2 : i32
    %get3A_754 = arith.index_cast %get3A_753 : i32 to index
    %get3A_755 = arith.constant 112 : index
    %get3A_756 = tpu.vector_load %arg7[%get3A_754, %get3A_755] {strides = array<i32>} : memref<4x128xi32, #tpu.memory_space<vmem>>, vector<16xi32>,
    %and3A_757 = arith.constant 127 : i32
    %and3A_758 = vector.broadcast %and3A_757 : i32 to vector<16xi32>
    %and3A_759 = arith.andi %get3A_756, %and3A_758 : vector<16xi32>
    %gather3A_760 = tpu.vector_load_idx %arg11[%add3A_752, %and3A_759] : memref<128x128xf32, #tpu.memory_space<vmem>>[vector<16xi32>, vector<16xi32>], vector<16xf32>,
    %swap3A_761 = arith.constant 368 : index
    %swap3A_762 = tpu.vector_load %arg13[%swap3A_761] {strides = array<i32>} : memref<512xf32, #tpu.memory_space<vmem>>, vector<16xf32>,
    tpu.vector_store %arg13[%swap3A_761], %gather3A_760 {strides = array<i32>} : memref<512xf32, #tpu.memory_space<vmem>>, vector<16xf32>,
    %mul3A_763 = arith.constant 512 : i32
    %mul3A_764 = arith.muli %add3A, %mul3A_763 : i32
    %add3A_765 = arith.constant 256 : i32
    %add3A_766 = arith.addi %mul3A_764, %add3A_765 : i32
    "tpu.region"() ({
      %run_scoped3A = tpu.sem_alloc : memref<!tpu.dma_semaphore, #tpu.memory_space<semaphore_mem>>
      %dma_start3A_889 = arith.constant 0 : i32
      %dma_start3A_890 = tpu.memref_slice %arg5[%add3A_766, %dma_start3A_889] : memref<16384x128xf32, #tpu.memory_space<hbm>> -> memref<128x128xf32, #tpu.memory_space<hbm>>
      %dma_start3A_891 = arith.constant 0 : i32
      %dma_start3A_892 = tpu.memref_slice %arg5[%add3A_766, %dma_start3A_891] : memref<16384x128xf32, #tpu.memory_space<hbm>> -> memref<128x128xf32, #tpu.memory_space<hbm>>
      tpu.enqueue_dma source(%arg9 : memref<128x128xf32, #tpu.memory_space<vmem>>) target(%dma_start3A_892 : memref<128x128xf32, #tpu.memory_space<hbm>>) target_semaphore(%run_scoped3A : memref<!tpu.dma_semaphore, #tpu.memory_space<semaphore_mem>>)
      %dma_wait3A_893 = arith.constant 0 : i32
      %dma_wait3A_894 = tpu.memref_slice %arg5[%add3A_766, %dma_wait3A_893] : memref<16384x128xf32, #tpu.memory_space<hbm>> -> memref<128x128xf32, #tpu.memory_space<hbm>>
      %dma_wait3A_895 = arith.constant 0 : i32
      %dma_wait3A_896 = tpu.memref_slice %arg5[%add3A_766, %dma_wait3A_895] : memref<16384x128xf32, #tpu.memory_space<hbm>> -> memref<128x128xf32, #tpu.memory_space<hbm>>
      tpu.wait_dma2 semaphore(%run_scoped3A : memref<!tpu.dma_semaphore, #tpu.memory_space<semaphore_mem>>) src(%arg9 : memref<128x128xf32, #tpu.memory_space<vmem>>) dst(%dma_wait3A_896 : memref<128x128xf32, #tpu.memory_space<hbm>>)
      tpu.yield
    }) : () -> ()
    %dma_wait3A_767 = arith.constant 3 : i32
    %dma_wait3A_768 = arith.constant 0 : i32
    %dma_wait3A_769 = tpu.memref_slice %arg7[%dma_wait3A_767, %dma_wait3A_768] : memref<4x128xi32, #tpu.memory_space<vmem>> -> memref<1x128xi32, #tpu.memory_space<vmem>>
    %dma_wait3A_770 = tpu.memref_squeeze %dma_wait3A_769 : memref<1x128xi32, #tpu.memory_space<vmem>> -> memref<128xi32, #tpu.memory_space<vmem>>
    %dma_wait3A_771 = arith.constant 0 : i32
    %dma_wait3A_772 = arith.constant 0 : i32
    %dma_wait3A_773 = tpu.memref_slice %arg3[%dma_wait3A_771, %dma_wait3A_772] : memref<400000x128xf32, #tpu.memory_space<hbm>> -> memref<400000x128xf32, #tpu.memory_space<hbm>>
    tpu.wait_indirect_dma semaphore(%arg14 : memref<!tpu.dma_semaphore, #tpu.memory_space<semaphore_mem>>) src(%dma_wait3A_773 : memref<400000x128xf32, #tpu.memory_space<hbm>>) dst(%arg10 : memref<128x128xf32, #tpu.memory_space<vmem>>)
    %dma_wait3A_774 = arith.constant 3 : i32
    %dma_wait3A_775 = arith.constant 0 : i32
    %dma_wait3A_776 = tpu.memref_slice %arg8[%dma_wait3A_774, %dma_wait3A_775] : memref<4x128xi32, #tpu.memory_space<vmem>> -> memref<1x128xi32, #tpu.memory_space<vmem>>
    %dma_wait3A_777 = tpu.memref_squeeze %dma_wait3A_776 : memref<1x128xi32, #tpu.memory_space<vmem>> -> memref<128xi32, #tpu.memory_space<vmem>>
    %dma_wait3A_778 = arith.constant 0 : i32
    %dma_wait3A_779 = arith.constant 0 : i32
    %dma_wait3A_780 = tpu.memref_slice %arg4[%dma_wait3A_778, %dma_wait3A_779] : memref<3125x128xf32, #tpu.memory_space<hbm>> -> memref<3125x128xf32, #tpu.memory_space<hbm>>
    tpu.wait_indirect_dma semaphore(%arg15 : memref<!tpu.dma_semaphore, #tpu.memory_space<semaphore_mem>>) src(%dma_wait3A_780 : memref<3125x128xf32, #tpu.memory_space<hbm>>) dst(%arg12 : memref<128x128xf32, #tpu.memory_space<vmem>>)
    %broadcast_in_dim3A_781 = arith.constant 0 : i32
    %broadcast_in_dim3A_782 = vector.broadcast %broadcast_in_dim3A_781 : i32 to vector<16xi32>
    %add3A_783 = arith.addi %broadcast_in_dim3A_782, %iota3A : vector<16xi32>
    %get3A_784 = arith.constant 3 : i32
    %get3A_785 = arith.index_cast %get3A_784 : i32 to index
    %get3A_786 = arith.constant 0 : index
    %get3A_787 = tpu.vector_load %arg7[%get3A_785, %get3A_786] {strides = array<i32>} : memref<4x128xi32, #tpu.memory_space<vmem>>, vector<16xi32>,
    %and3A_788 = arith.constant 127 : i32
    %and3A_789 = vector.broadcast %and3A_788 : i32 to vector<16xi32>
    %and3A_790 = arith.andi %get3A_787, %and3A_789 : vector<16xi32>
    %gather3A_791 = tpu.vector_load_idx %arg12[%add3A_783, %and3A_790] : memref<128x128xf32, #tpu.memory_space<vmem>>[vector<16xi32>, vector<16xi32>], vector<16xf32>,
    %swap3A_792 = arith.constant 384 : index
    %swap3A_793 = tpu.vector_load %arg13[%swap3A_792] {strides = array<i32>} : memref<512xf32, #tpu.memory_space<vmem>>, vector<16xf32>,
    tpu.vector_store %arg13[%swap3A_792], %gather3A_791 {strides = array<i32>} : memref<512xf32, #tpu.memory_space<vmem>>, vector<16xf32>,
    %broadcast_in_dim3A_794 = arith.constant 16 : i32
    %broadcast_in_dim3A_795 = vector.broadcast %broadcast_in_dim3A_794 : i32 to vector<16xi32>
    %add3A_796 = arith.addi %broadcast_in_dim3A_795, %iota3A : vector<16xi32>
    %get3A_797 = arith.constant 3 : i32
    %get3A_798 = arith.index_cast %get3A_797 : i32 to index
    %get3A_799 = arith.constant 16 : index
    %get3A_800 = tpu.vector_load %arg7[%get3A_798, %get3A_799] {strides = array<i32>} : memref<4x128xi32, #tpu.memory_space<vmem>>, vector<16xi32>,
    %and3A_801 = arith.constant 127 : i32
    %and3A_802 = vector.broadcast %and3A_801 : i32 to vector<16xi32>
    %and3A_803 = arith.andi %get3A_800, %and3A_802 : vector<16xi32>
    %gather3A_804 = tpu.vector_load_idx %arg12[%add3A_796, %and3A_803] : memref<128x128xf32, #tpu.memory_space<vmem>>[vector<16xi32>, vector<16xi32>], vector<16xf32>,
    %swap3A_805 = arith.constant 400 : index
    %swap3A_806 = tpu.vector_load %arg13[%swap3A_805] {strides = array<i32>} : memref<512xf32, #tpu.memory_space<vmem>>, vector<16xf32>,
    tpu.vector_store %arg13[%swap3A_805], %gather3A_804 {strides = array<i32>} : memref<512xf32, #tpu.memory_space<vmem>>, vector<16xf32>,
    %broadcast_in_dim3A_807 = arith.constant 32 : i32
    %broadcast_in_dim3A_808 = vector.broadcast %broadcast_in_dim3A_807 : i32 to vector<16xi32>
    %add3A_809 = arith.addi %broadcast_in_dim3A_808, %iota3A : vector<16xi32>
    %get3A_810 = arith.constant 3 : i32
    %get3A_811 = arith.index_cast %get3A_810 : i32 to index
    %get3A_812 = arith.constant 32 : index
    %get3A_813 = tpu.vector_load %arg7[%get3A_811, %get3A_812] {strides = array<i32>} : memref<4x128xi32, #tpu.memory_space<vmem>>, vector<16xi32>,
    %and3A_814 = arith.constant 127 : i32
    %and3A_815 = vector.broadcast %and3A_814 : i32 to vector<16xi32>
    %and3A_816 = arith.andi %get3A_813, %and3A_815 : vector<16xi32>
    %gather3A_817 = tpu.vector_load_idx %arg12[%add3A_809, %and3A_816] : memref<128x128xf32, #tpu.memory_space<vmem>>[vector<16xi32>, vector<16xi32>], vector<16xf32>,
    %swap3A_818 = arith.constant 416 : index
    %swap3A_819 = tpu.vector_load %arg13[%swap3A_818] {strides = array<i32>} : memref<512xf32, #tpu.memory_space<vmem>>, vector<16xf32>,
    tpu.vector_store %arg13[%swap3A_818], %gather3A_817 {strides = array<i32>} : memref<512xf32, #tpu.memory_space<vmem>>, vector<16xf32>,
    %broadcast_in_dim3A_820 = arith.constant 48 : i32
    %broadcast_in_dim3A_821 = vector.broadcast %broadcast_in_dim3A_820 : i32 to vector<16xi32>
    %add3A_822 = arith.addi %broadcast_in_dim3A_821, %iota3A : vector<16xi32>
    %get3A_823 = arith.constant 3 : i32
    %get3A_824 = arith.index_cast %get3A_823 : i32 to index
    %get3A_825 = arith.constant 48 : index
    %get3A_826 = tpu.vector_load %arg7[%get3A_824, %get3A_825] {strides = array<i32>} : memref<4x128xi32, #tpu.memory_space<vmem>>, vector<16xi32>,
    %and3A_827 = arith.constant 127 : i32
    %and3A_828 = vector.broadcast %and3A_827 : i32 to vector<16xi32>
    %and3A_829 = arith.andi %get3A_826, %and3A_828 : vector<16xi32>
    %gather3A_830 = tpu.vector_load_idx %arg12[%add3A_822, %and3A_829] : memref<128x128xf32, #tpu.memory_space<vmem>>[vector<16xi32>, vector<16xi32>], vector<16xf32>,
    %swap3A_831 = arith.constant 432 : index
    %swap3A_832 = tpu.vector_load %arg13[%swap3A_831] {strides = array<i32>} : memref<512xf32, #tpu.memory_space<vmem>>, vector<16xf32>,
    tpu.vector_store %arg13[%swap3A_831], %gather3A_830 {strides = array<i32>} : memref<512xf32, #tpu.memory_space<vmem>>, vector<16xf32>,
    %broadcast_in_dim3A_833 = arith.constant 64 : i32
    %broadcast_in_dim3A_834 = vector.broadcast %broadcast_in_dim3A_833 : i32 to vector<16xi32>
    %add3A_835 = arith.addi %broadcast_in_dim3A_834, %iota3A : vector<16xi32>
    %get3A_836 = arith.constant 3 : i32
    %get3A_837 = arith.index_cast %get3A_836 : i32 to index
    %get3A_838 = arith.constant 64 : index
    %get3A_839 = tpu.vector_load %arg7[%get3A_837, %get3A_838] {strides = array<i32>} : memref<4x128xi32, #tpu.memory_space<vmem>>, vector<16xi32>,
    %and3A_840 = arith.constant 127 : i32
    %and3A_841 = vector.broadcast %and3A_840 : i32 to vector<16xi32>
    %and3A_842 = arith.andi %get3A_839, %and3A_841 : vector<16xi32>
    %gather3A_843 = tpu.vector_load_idx %arg12[%add3A_835, %and3A_842] : memref<128x128xf32, #tpu.memory_space<vmem>>[vector<16xi32>, vector<16xi32>], vector<16xf32>,
    %swap3A_844 = arith.constant 448 : index
    %swap3A_845 = tpu.vector_load %arg13[%swap3A_844] {strides = array<i32>} : memref<512xf32, #tpu.memory_space<vmem>>, vector<16xf32>,
    tpu.vector_store %arg13[%swap3A_844], %gather3A_843 {strides = array<i32>} : memref<512xf32, #tpu.memory_space<vmem>>, vector<16xf32>,
    %broadcast_in_dim3A_846 = arith.constant 80 : i32
    %broadcast_in_dim3A_847 = vector.broadcast %broadcast_in_dim3A_846 : i32 to vector<16xi32>
    %add3A_848 = arith.addi %broadcast_in_dim3A_847, %iota3A : vector<16xi32>
    %get3A_849 = arith.constant 3 : i32
    %get3A_850 = arith.index_cast %get3A_849 : i32 to index
    %get3A_851 = arith.constant 80 : index
    %get3A_852 = tpu.vector_load %arg7[%get3A_850, %get3A_851] {strides = array<i32>} : memref<4x128xi32, #tpu.memory_space<vmem>>, vector<16xi32>,
    %and3A_853 = arith.constant 127 : i32
    %and3A_854 = vector.broadcast %and3A_853 : i32 to vector<16xi32>
    %and3A_855 = arith.andi %get3A_852, %and3A_854 : vector<16xi32>
    %gather3A_856 = tpu.vector_load_idx %arg12[%add3A_848, %and3A_855] : memref<128x128xf32, #tpu.memory_space<vmem>>[vector<16xi32>, vector<16xi32>], vector<16xf32>,
    %swap3A_857 = arith.constant 464 : index
    %swap3A_858 = tpu.vector_load %arg13[%swap3A_857] {strides = array<i32>} : memref<512xf32, #tpu.memory_space<vmem>>, vector<16xf32>,
    tpu.vector_store %arg13[%swap3A_857], %gather3A_856 {strides = array<i32>} : memref<512xf32, #tpu.memory_space<vmem>>, vector<16xf32>,
    %broadcast_in_dim3A_859 = arith.constant 96 : i32
    %broadcast_in_dim3A_860 = vector.broadcast %broadcast_in_dim3A_859 : i32 to vector<16xi32>
    %add3A_861 = arith.addi %broadcast_in_dim3A_860, %iota3A : vector<16xi32>
    %get3A_862 = arith.constant 3 : i32
    %get3A_863 = arith.index_cast %get3A_862 : i32 to index
    %get3A_864 = arith.constant 96 : index
    %get3A_865 = tpu.vector_load %arg7[%get3A_863, %get3A_864] {strides = array<i32>} : memref<4x128xi32, #tpu.memory_space<vmem>>, vector<16xi32>,
    %and3A_866 = arith.constant 127 : i32
    %and3A_867 = vector.broadcast %and3A_866 : i32 to vector<16xi32>
    %and3A_868 = arith.andi %get3A_865, %and3A_867 : vector<16xi32>
    %gather3A_869 = tpu.vector_load_idx %arg12[%add3A_861, %and3A_868] : memref<128x128xf32, #tpu.memory_space<vmem>>[vector<16xi32>, vector<16xi32>], vector<16xf32>,
    %swap3A_870 = arith.constant 480 : index
    %swap3A_871 = tpu.vector_load %arg13[%swap3A_870] {strides = array<i32>} : memref<512xf32, #tpu.memory_space<vmem>>, vector<16xf32>,
    tpu.vector_store %arg13[%swap3A_870], %gather3A_869 {strides = array<i32>} : memref<512xf32, #tpu.memory_space<vmem>>, vector<16xf32>,
    %broadcast_in_dim3A_872 = arith.constant 112 : i32
    %broadcast_in_dim3A_873 = vector.broadcast %broadcast_in_dim3A_872 : i32 to vector<16xi32>
    %add3A_874 = arith.addi %broadcast_in_dim3A_873, %iota3A : vector<16xi32>
    %get3A_875 = arith.constant 3 : i32
    %get3A_876 = arith.index_cast %get3A_875 : i32 to index
    %get3A_877 = arith.constant 112 : index
    %get3A_878 = tpu.vector_load %arg7[%get3A_876, %get3A_877] {strides = array<i32>} : memref<4x128xi32, #tpu.memory_space<vmem>>, vector<16xi32>,
    %and3A_879 = arith.constant 127 : i32
    %and3A_880 = vector.broadcast %and3A_879 : i32 to vector<16xi32>
    %and3A_881 = arith.andi %get3A_878, %and3A_880 : vector<16xi32>
    %gather3A_882 = tpu.vector_load_idx %arg12[%add3A_874, %and3A_881] : memref<128x128xf32, #tpu.memory_space<vmem>>[vector<16xi32>, vector<16xi32>], vector<16xf32>,
    %swap3A_883 = arith.constant 496 : index
    %swap3A_884 = tpu.vector_load %arg13[%swap3A_883] {strides = array<i32>} : memref<512xf32, #tpu.memory_space<vmem>>, vector<16xf32>,
    tpu.vector_store %arg13[%swap3A_883], %gather3A_882 {strides = array<i32>} : memref<512xf32, #tpu.memory_space<vmem>>, vector<16xf32>,
    %mul3A_885 = arith.constant 512 : i32
    %mul3A_886 = arith.muli %add3A, %mul3A_885 : i32
    %add3A_887 = arith.constant 384 : i32
    %add3A_888 = arith.addi %mul3A_886, %add3A_887 : i32
    "tpu.region"() ({
      %run_scoped3A = tpu.sem_alloc : memref<!tpu.dma_semaphore, #tpu.memory_space<semaphore_mem>>
      %dma_start3A_889 = arith.constant 0 : i32
      %dma_start3A_890 = tpu.memref_slice %arg5[%add3A_888, %dma_start3A_889] : memref<16384x128xf32, #tpu.memory_space<hbm>> -> memref<128x128xf32, #tpu.memory_space<hbm>>
      %dma_start3A_891 = arith.constant 0 : i32
      %dma_start3A_892 = tpu.memref_slice %arg5[%add3A_888, %dma_start3A_891] : memref<16384x128xf32, #tpu.memory_space<hbm>> -> memref<128x128xf32, #tpu.memory_space<hbm>>
      tpu.enqueue_dma source(%arg10 : memref<128x128xf32, #tpu.memory_space<vmem>>) target(%dma_start3A_892 : memref<128x128xf32, #tpu.memory_space<hbm>>) target_semaphore(%run_scoped3A : memref<!tpu.dma_semaphore, #tpu.memory_space<semaphore_mem>>)
      %dma_wait3A_893 = arith.constant 0 : i32
      %dma_wait3A_894 = tpu.memref_slice %arg5[%add3A_888, %dma_wait3A_893] : memref<16384x128xf32, #tpu.memory_space<hbm>> -> memref<128x128xf32, #tpu.memory_space<hbm>>
      %dma_wait3A_895 = arith.constant 0 : i32
      %dma_wait3A_896 = tpu.memref_slice %arg5[%add3A_888, %dma_wait3A_895] : memref<16384x128xf32, #tpu.memory_space<hbm>> -> memref<128x128xf32, #tpu.memory_space<hbm>>
      tpu.wait_dma2 semaphore(%run_scoped3A : memref<!tpu.dma_semaphore, #tpu.memory_space<semaphore_mem>>) src(%arg10 : memref<128x128xf32, #tpu.memory_space<vmem>>) dst(%dma_wait3A_896 : memref<128x128xf32, #tpu.memory_space<hbm>>)
      tpu.yield
    }) : () -> ()
    "tpu.region"() ({
      %run_scoped3A = tpu.sem_alloc : memref<!tpu.dma_semaphore, #tpu.memory_space<semaphore_mem>>
      %dma_start3A_889 = arith.constant 0 : i32
      %dma_start3A_890 = tpu.memref_slice %arg6[%add3A, %dma_start3A_889] : memref<32x512xf32, #tpu.memory_space<hbm>> -> memref<1x512xf32, #tpu.memory_space<hbm>>
      %dma_start3A_891 = tpu.memref_squeeze %dma_start3A_890 : memref<1x512xf32, #tpu.memory_space<hbm>> -> memref<512xf32, #tpu.memory_space<hbm>>
      %dma_start3A_892 = arith.constant 0 : i32
      %dma_start3A_893 = tpu.memref_slice %arg6[%add3A, %dma_start3A_892] : memref<32x512xf32, #tpu.memory_space<hbm>> -> memref<1x512xf32, #tpu.memory_space<hbm>>
      %dma_start3A_894 = tpu.memref_squeeze %dma_start3A_893 : memref<1x512xf32, #tpu.memory_space<hbm>> -> memref<512xf32, #tpu.memory_space<hbm>>
      tpu.enqueue_dma source(%arg13 : memref<512xf32, #tpu.memory_space<vmem>>) target(%dma_start3A_894 : memref<512xf32, #tpu.memory_space<hbm>>) target_semaphore(%run_scoped3A : memref<!tpu.dma_semaphore, #tpu.memory_space<semaphore_mem>>)
      %dma_wait3A_895 = arith.constant 0 : i32
      %dma_wait3A_896 = tpu.memref_slice %arg6[%add3A, %dma_wait3A_895] : memref<32x512xf32, #tpu.memory_space<hbm>> -> memref<1x512xf32, #tpu.memory_space<hbm>>
      %dma_wait3A_897 = tpu.memref_squeeze %dma_wait3A_896 : memref<1x512xf32, #tpu.memory_space<hbm>> -> memref<512xf32, #tpu.memory_space<hbm>>
      %dma_wait3A_898 = arith.constant 0 : i32
      %dma_wait3A_899 = tpu.memref_slice %arg6[%add3A, %dma_wait3A_898] : memref<32x512xf32, #tpu.memory_space<hbm>> -> memref<1x512xf32, #tpu.memory_space<hbm>>
      %dma_wait3A_900 = tpu.memref_squeeze %dma_wait3A_899 : memref<1x512xf32, #tpu.memory_space<hbm>> -> memref<512xf32, #tpu.memory_space<hbm>>
      tpu.wait_dma2 semaphore(%run_scoped3A : memref<!tpu.dma_semaphore, #tpu.memory_space<semaphore_mem>>) src(%arg13 : memref<512xf32, #tpu.memory_space<vmem>>) dst(%dma_wait3A_900 : memref<512xf32, #tpu.memory_space<hbm>>)
      tpu.yield
    }) : () -> ()
    return
  }
}

module attributes {stable_mosaic.version = 14 : i64} {
  func.func @_dense_body(%arg0: memref<4x4096x128xf32, #tpu.memory_space<vmem>>, %arg1: memref<4096x4xf32, #tpu.memory_space<vmem>>, %arg2: memref<256x256xf32, #tpu.memory_space<vmem>>, %arg3: memref<1x256xf32, #tpu.memory_space<vmem>>, %arg4: memref<1x256xf32, #tpu.memory_space<vmem>>, %arg5: memref<1x256xf32, #tpu.memory_space<vmem>>, %arg6: memref<256x128xf32, #tpu.memory_space<vmem>>, %arg7: memref<1x128xf32, #tpu.memory_space<vmem>>, %arg8: memref<1x128xf32, #tpu.memory_space<vmem>>, %arg9: memref<1x128xf32, #tpu.memory_space<vmem>>, %arg10: memref<128x1xf32, #tpu.memory_space<vmem>>, %arg11: memref<1x1xf32, #tpu.memory_space<vmem>>, %arg12: memref<1x1xf32, #tpu.memory_space<vmem>>, %arg13: memref<4096x1xf32, #tpu.memory_space<vmem>>) attributes {dimension_semantics = [], scalar_prefetch = 0 : i64, scratch_operands = 0 : i64, tpu.core_type = #tpu.core_type<tc>} {
    %get3A = arith.constant 0 : index
    %get3A_0 = arith.constant 0 : index
    %get3A_1 = arith.constant 0 : index
    %get3A_2 = vector.load %arg0[%get3A, %get3A_0, %get3A_1] : memref<4x4096x128xf32, #tpu.memory_space<vmem>>, vector<1x4096x128xf32>
    %get3A_3 = vector.shape_cast %get3A_2 : vector<1x4096x128xf32> to vector<4096x128xf32>
    %slice3A = vector.extract_strided_slice %get3A_3 {offsets = [0, 0], sizes = [4096, 64], strides = [1, 1]} : vector<4096x128xf32> to vector<4096x64xf32>
    %get3A_4 = arith.constant 1 : index
    %get3A_5 = arith.constant 0 : index
    %get3A_6 = arith.constant 0 : index
    %get3A_7 = vector.load %arg0[%get3A_4, %get3A_5, %get3A_6] : memref<4x4096x128xf32, #tpu.memory_space<vmem>>, vector<1x4096x128xf32>
    %get3A_8 = vector.shape_cast %get3A_7 : vector<1x4096x128xf32> to vector<4096x128xf32>
    %slice3A_9 = vector.extract_strided_slice %get3A_8 {offsets = [0, 0], sizes = [4096, 64], strides = [1, 1]} : vector<4096x128xf32> to vector<4096x64xf32>
    %get3A_10 = arith.constant 2 : index
    %get3A_11 = arith.constant 0 : index
    %get3A_12 = arith.constant 0 : index
    %get3A_13 = vector.load %arg0[%get3A_10, %get3A_11, %get3A_12] : memref<4x4096x128xf32, #tpu.memory_space<vmem>>, vector<1x4096x128xf32>
    %get3A_14 = vector.shape_cast %get3A_13 : vector<1x4096x128xf32> to vector<4096x128xf32>
    %slice3A_15 = vector.extract_strided_slice %get3A_14 {offsets = [0, 0], sizes = [4096, 64], strides = [1, 1]} : vector<4096x128xf32> to vector<4096x64xf32>
    %get3A_16 = arith.constant 3 : index
    %get3A_17 = arith.constant 0 : index
    %get3A_18 = arith.constant 0 : index
    %get3A_19 = vector.load %arg0[%get3A_16, %get3A_17, %get3A_18] : memref<4x4096x128xf32, #tpu.memory_space<vmem>>, vector<1x4096x128xf32>
    %get3A_20 = vector.shape_cast %get3A_19 : vector<1x4096x128xf32> to vector<4096x128xf32>
    %slice3A_21 = vector.extract_strided_slice %get3A_20 {offsets = [0, 0], sizes = [4096, 64], strides = [1, 1]} : vector<4096x128xf32> to vector<4096x64xf32>
    %add3A = arith.addf %slice3A, %slice3A_9 : vector<4096x64xf32>
    %add3A_22 = arith.addf %add3A, %slice3A_15 : vector<4096x64xf32>
    %add3A_23 = arith.addf %add3A_22, %slice3A_21 : vector<4096x64xf32>
    %mul3A = arith.mulf %add3A_23, %add3A_23 : vector<4096x64xf32>
    %mul3A_24 = arith.mulf %slice3A, %slice3A : vector<4096x64xf32>
    %mul3A_25 = arith.mulf %slice3A_9, %slice3A_9 : vector<4096x64xf32>
    %add3A_26 = arith.addf %mul3A_24, %mul3A_25 : vector<4096x64xf32>
    %mul3A_27 = arith.mulf %slice3A_15, %slice3A_15 : vector<4096x64xf32>
    %add3A_28 = arith.addf %add3A_26, %mul3A_27 : vector<4096x64xf32>
    %mul3A_29 = arith.mulf %slice3A_21, %slice3A_21 : vector<4096x64xf32>
    %add3A_30 = arith.addf %add3A_28, %mul3A_29 : vector<4096x64xf32>
    %sub3A = arith.subf %mul3A, %add3A_30 : vector<4096x64xf32>
    %reduce_sum3A = arith.constant dense<0.000000e+00> : vector<4096xf32>
    %reduce_sum3A_31 = vector.multi_reduction <add>, %sub3A, %reduce_sum3A [1] : vector<4096x64xf32> to vector<4096xf32>
    %broadcast_in_dim3A = vector.shape_cast %reduce_sum3A_31 : vector<4096xf32> to vector<4096x1xf32>
    %mul3A_32 = arith.constant 5.000000e-01 : f32
    %mul3A_33 = vector.broadcast %mul3A_32 : f32 to vector<4096x1xf32>
    %mul3A_34 = arith.mulf %mul3A_33, %broadcast_in_dim3A : vector<4096x1xf32>
    %concatenate3A = tpu.concatenate %slice3A, %slice3A_9, %slice3A_15, %slice3A_21 in 1 : vector<4096x64xf32>, vector<4096x64xf32>, vector<4096x64xf32>, vector<4096x64xf32> -> vector<4096x256xf32>
    %get3A_35 = arith.constant 0 : index
    %get3A_36 = arith.constant 0 : index
    %get3A_37 = vector.load %arg1[%get3A_35, %get3A_36] : memref<4096x4xf32, #tpu.memory_space<vmem>>, vector<4096x4xf32>
    %reduce_sum3A_38 = arith.constant dense<0.000000e+00> : vector<4096xf32>
    %reduce_sum3A_39 = vector.multi_reduction <add>, %get3A_37, %reduce_sum3A_38 [1] : vector<4096x4xf32> to vector<4096xf32>
    %broadcast_in_dim3A_40 = vector.shape_cast %reduce_sum3A_39 : vector<4096xf32> to vector<4096x1xf32>
    %get3A_41 = arith.constant 0 : index
    %get3A_42 = arith.constant 0 : index
    %get3A_43 = vector.load %arg12[%get3A_41, %get3A_42] : memref<1x1xf32, #tpu.memory_space<vmem>>, vector<1x1xf32>
    %get3A_44 = vector.extract %get3A_43[0, 0] : f32 from vector<1x1xf32>
    %add3A_45 = vector.broadcast %get3A_44 : f32 to vector<4096x1xf32>
    %add3A_46 = arith.addf %broadcast_in_dim3A_40, %add3A_45 : vector<4096x1xf32>
    %get3A_47 = arith.constant 0 : index
    %get3A_48 = arith.constant 0 : index
    %get3A_49 = vector.load %arg2[%get3A_47, %get3A_48] : memref<256x256xf32, #tpu.memory_space<vmem>>, vector<256x256xf32>
    %dot_general3A = arith.constant dense<0.000000e+00> : vector<4096x256xf32>
    %dot_general3A_50 = tpu.matmul %concatenate3A, %get3A_49, %dot_general3A {dimension_numbers = #tpu.dot_dimension_numbers<[1], [0], [0], [1], [0, 0, 1, 1], [], []>, transpose_lhs_hint = false} : vector<4096x256xf32>, vector<256x256xf32>, vector<4096x256xf32> -> vector<4096x256xf32>
    %get3A_51 = arith.constant 0 : index
    %get3A_52 = arith.constant 0 : index
    %get3A_53 = vector.load %arg3[%get3A_51, %get3A_52] : memref<1x256xf32, #tpu.memory_space<vmem>>, vector<1x256xf32>
    %add3A_54 = vector.broadcast %get3A_53 : vector<1x256xf32> to vector<4096x256xf32>
    %add3A_55 = arith.addf %dot_general3A_50, %add3A_54 : vector<4096x256xf32>
    %get3A_56 = arith.constant 0 : index
    %get3A_57 = arith.constant 0 : index
    %get3A_58 = vector.load %arg4[%get3A_56, %get3A_57] : memref<1x256xf32, #tpu.memory_space<vmem>>, vector<1x256xf32>
    %get3A_59 = arith.constant 0 : index
    %get3A_60 = arith.constant 0 : index
    %get3A_61 = vector.load %arg5[%get3A_59, %get3A_60] : memref<1x256xf32, #tpu.memory_space<vmem>>, vector<1x256xf32>
    %reduce_sum3A_62 = arith.constant dense<0.000000e+00> : vector<256xf32>
    %reduce_sum3A_63 = vector.multi_reduction <add>, %add3A_55, %reduce_sum3A_62 [0] : vector<4096x256xf32> to vector<256xf32>
    %broadcast_in_dim3A_64 = vector.shape_cast %reduce_sum3A_63 : vector<256xf32> to vector<1x256xf32>
    %div3A = arith.constant 4.096000e+03 : f32
    %div3A_65 = vector.broadcast %div3A : f32 to vector<1x256xf32>
    %div3A_66 = arith.divf %broadcast_in_dim3A_64, %div3A_65 : vector<1x256xf32>
    %sub3A_67 = vector.broadcast %div3A_66 : vector<1x256xf32> to vector<4096x256xf32>
    %sub3A_68 = arith.subf %add3A_55, %sub3A_67 : vector<4096x256xf32>
    %mul3A_69 = arith.mulf %sub3A_68, %sub3A_68 : vector<4096x256xf32>
    %reduce_sum3A_70 = arith.constant dense<0.000000e+00> : vector<256xf32>
    %reduce_sum3A_71 = vector.multi_reduction <add>, %mul3A_69, %reduce_sum3A_70 [0] : vector<4096x256xf32> to vector<256xf32>
    %broadcast_in_dim3A_72 = vector.shape_cast %reduce_sum3A_71 : vector<256xf32> to vector<1x256xf32>
    %div3A_73 = arith.constant 4.096000e+03 : f32
    %div3A_74 = vector.broadcast %div3A_73 : f32 to vector<1x256xf32>
    %div3A_75 = arith.divf %broadcast_in_dim3A_72, %div3A_74 : vector<1x256xf32>
    %mul3A_76 = vector.broadcast %get3A_58 : vector<1x256xf32> to vector<4096x256xf32>
    %mul3A_77 = arith.mulf %mul3A_76, %sub3A_68 : vector<4096x256xf32>
    %add3A_78 = arith.constant 9.99999974E-6 : f32
    %add3A_79 = vector.broadcast %add3A_78 : f32 to vector<1x256xf32>
    %add3A_80 = arith.addf %div3A_75, %add3A_79 : vector<1x256xf32>
    %rsqrt3A = math.rsqrt %add3A_80 : vector<1x256xf32>
    %mul3A_81 = vector.broadcast %rsqrt3A : vector<1x256xf32> to vector<4096x256xf32>
    %mul3A_82 = arith.mulf %mul3A_77, %mul3A_81 : vector<4096x256xf32>
    %add3A_83 = vector.broadcast %get3A_61 : vector<1x256xf32> to vector<4096x256xf32>
    %add3A_84 = arith.addf %mul3A_82, %add3A_83 : vector<4096x256xf32>
    %max3A = arith.constant 0.000000e+00 : f32
    %max3A_85 = vector.broadcast %max3A : f32 to vector<4096x256xf32>
    %max3A_86 = arith.maximumf %add3A_84, %max3A_85 : vector<4096x256xf32>
    %get3A_87 = arith.constant 0 : index
    %get3A_88 = arith.constant 0 : index
    %get3A_89 = vector.load %arg6[%get3A_87, %get3A_88] : memref<256x128xf32, #tpu.memory_space<vmem>>, vector<256x128xf32>
    %dot_general3A_90 = arith.constant dense<0.000000e+00> : vector<4096x128xf32>
    %dot_general3A_91 = tpu.matmul %max3A_86, %get3A_89, %dot_general3A_90 {dimension_numbers = #tpu.dot_dimension_numbers<[1], [0], [0], [1], [0, 0, 1, 1], [], []>, transpose_lhs_hint = false} : vector<4096x256xf32>, vector<256x128xf32>, vector<4096x128xf32> -> vector<4096x128xf32>
    %get3A_92 = arith.constant 0 : index
    %get3A_93 = arith.constant 0 : index
    %get3A_94 = vector.load %arg7[%get3A_92, %get3A_93] : memref<1x128xf32, #tpu.memory_space<vmem>>, vector<1x128xf32>
    %add3A_95 = vector.broadcast %get3A_94 : vector<1x128xf32> to vector<4096x128xf32>
    %add3A_96 = arith.addf %dot_general3A_91, %add3A_95 : vector<4096x128xf32>
    %get3A_97 = arith.constant 0 : index
    %get3A_98 = arith.constant 0 : index
    %get3A_99 = vector.load %arg8[%get3A_97, %get3A_98] : memref<1x128xf32, #tpu.memory_space<vmem>>, vector<1x128xf32>
    %get3A_100 = arith.constant 0 : index
    %get3A_101 = arith.constant 0 : index
    %get3A_102 = vector.load %arg9[%get3A_100, %get3A_101] : memref<1x128xf32, #tpu.memory_space<vmem>>, vector<1x128xf32>
    %reduce_sum3A_103 = arith.constant dense<0.000000e+00> : vector<128xf32>
    %reduce_sum3A_104 = vector.multi_reduction <add>, %add3A_96, %reduce_sum3A_103 [0] : vector<4096x128xf32> to vector<128xf32>
    %broadcast_in_dim3A_105 = vector.shape_cast %reduce_sum3A_104 : vector<128xf32> to vector<1x128xf32>
    %div3A_106 = arith.constant 4.096000e+03 : f32
    %div3A_107 = vector.broadcast %div3A_106 : f32 to vector<1x128xf32>
    %div3A_108 = arith.divf %broadcast_in_dim3A_105, %div3A_107 : vector<1x128xf32>
    %sub3A_109 = vector.broadcast %div3A_108 : vector<1x128xf32> to vector<4096x128xf32>
    %sub3A_110 = arith.subf %add3A_96, %sub3A_109 : vector<4096x128xf32>
    %mul3A_111 = arith.mulf %sub3A_110, %sub3A_110 : vector<4096x128xf32>
    %reduce_sum3A_112 = arith.constant dense<0.000000e+00> : vector<128xf32>
    %reduce_sum3A_113 = vector.multi_reduction <add>, %mul3A_111, %reduce_sum3A_112 [0] : vector<4096x128xf32> to vector<128xf32>
    %broadcast_in_dim3A_114 = vector.shape_cast %reduce_sum3A_113 : vector<128xf32> to vector<1x128xf32>
    %div3A_115 = arith.constant 4.096000e+03 : f32
    %div3A_116 = vector.broadcast %div3A_115 : f32 to vector<1x128xf32>
    %div3A_117 = arith.divf %broadcast_in_dim3A_114, %div3A_116 : vector<1x128xf32>
    %mul3A_118 = vector.broadcast %get3A_99 : vector<1x128xf32> to vector<4096x128xf32>
    %mul3A_119 = arith.mulf %mul3A_118, %sub3A_110 : vector<4096x128xf32>
    %add3A_120 = arith.constant 9.99999974E-6 : f32
    %add3A_121 = vector.broadcast %add3A_120 : f32 to vector<1x128xf32>
    %add3A_122 = arith.addf %div3A_117, %add3A_121 : vector<1x128xf32>
    %rsqrt3A_123 = math.rsqrt %add3A_122 : vector<1x128xf32>
    %mul3A_124 = vector.broadcast %rsqrt3A_123 : vector<1x128xf32> to vector<4096x128xf32>
    %mul3A_125 = arith.mulf %mul3A_119, %mul3A_124 : vector<4096x128xf32>
    %add3A_126 = vector.broadcast %get3A_102 : vector<1x128xf32> to vector<4096x128xf32>
    %add3A_127 = arith.addf %mul3A_125, %add3A_126 : vector<4096x128xf32>
    %max3A_128 = arith.constant 0.000000e+00 : f32
    %max3A_129 = vector.broadcast %max3A_128 : f32 to vector<4096x128xf32>
    %max3A_130 = arith.maximumf %add3A_127, %max3A_129 : vector<4096x128xf32>
    %get3A_131 = arith.constant 0 : index
    %get3A_132 = arith.constant 0 : index
    %get3A_133 = vector.load %arg10[%get3A_131, %get3A_132] : memref<128x1xf32, #tpu.memory_space<vmem>>, vector<128x1xf32>
    %dot_general3A_134 = arith.constant dense<0.000000e+00> : vector<4096x1xf32>
    %dot_general3A_135 = tpu.matmul %max3A_130, %get3A_133, %dot_general3A_134 {dimension_numbers = #tpu.dot_dimension_numbers<[1], [0], [0], [1], [0, 0, 1, 1], [], []>, transpose_lhs_hint = false} : vector<4096x128xf32>, vector<128x1xf32>, vector<4096x1xf32> -> vector<4096x1xf32>
    %get3A_136 = arith.constant 0 : index
    %get3A_137 = arith.constant 0 : index
    %get3A_138 = vector.load %arg11[%get3A_136, %get3A_137] : memref<1x1xf32, #tpu.memory_space<vmem>>, vector<1x1xf32>
    %get3A_139 = vector.extract %get3A_138[0, 0] : f32 from vector<1x1xf32>
    %add3A_140 = vector.broadcast %get3A_139 : f32 to vector<4096x1xf32>
    %add3A_141 = arith.addf %dot_general3A_135, %add3A_140 : vector<4096x1xf32>
    %add3A_142 = arith.addf %add3A_141, %add3A_46 : vector<4096x1xf32>
    %add3A_143 = arith.addf %add3A_142, %mul3A_34 : vector<4096x1xf32>
    %neg3A = arith.constant 0.000000e+00 : f32
    %neg3A_144 = vector.broadcast %neg3A : f32 to vector<4096x1xf32>
    %neg3A_145 = arith.subf %neg3A_144, %add3A_143 : vector<4096x1xf32>
    %exp3A = math.exp %neg3A_145 : vector<4096x1xf32>
    %add3A_146 = arith.constant 1.000000e+00 : f32
    %add3A_147 = vector.broadcast %add3A_146 : f32 to vector<4096x1xf32>
    %add3A_148 = arith.addf %add3A_147, %exp3A : vector<4096x1xf32>
    %div3A_149 = arith.constant 1.000000e+00 : f32
    %div3A_150 = vector.broadcast %div3A_149 : f32 to vector<4096x1xf32>
    %div3A_151 = arith.divf %div3A_150, %add3A_148 : vector<4096x1xf32>
    %swap3A = arith.constant 0 : index
    %swap3A_152 = arith.constant 0 : index
    %swap3A_153 = vector.load %arg13[%swap3A, %swap3A_152] : memref<4096x1xf32, #tpu.memory_space<vmem>>, vector<4096x1xf32>
    tpu.vector_store %arg13[%swap3A, %swap3A_152], %div3A_151 {strides = array<i32>} : memref<4096x1xf32, #tpu.memory_space<vmem>>, vector<4096x1xf32>,
    return
  }
}

</mosaic_0001>

<sc_bundles>
// kernel: kernel.4.cloned.1.call-start
scs
__scs_entry_jumppad:
0x0: {  	(pc) =	sbr.rel $0x88, $3  }
0x1: {  	(tag) =	ssettag $0x0;
	lr =	simm.s32 $0x1  }
0x2: {  	[smem:$0x3F93] =	sst lr;
	_ =	strace $0xD0000000  }
0x3: {  	_ = 	snop  }
0x4: {  	_ = 	snop  }
0x5: {  	_ = 	snop  }
0x6: {  	_ = 	snop  }
0x7: {  	_ = 	snop  }
__scs_overlays_trampoline_lowered:
0x8: {  	[smem:$0x3FA2] =	sst s0  }
0x9: {  	[smem:$0x3FA3] =	sst s1  }
0xa: {  	[smem:$0x3FA4] =	sst s2  }
0xb: {  	[smem:$0x3FA5] =	sst s3  }
0xc: {  	[smem:$0x3FA6] =	sst s4  }
0xd: {  	[smem:$0x3FA7] =	sst s5  }
0xe: {  	[smem:$0x3FA8] =	sst s6  }
0xf: {  	[smem:$0x3FA9] =	sst s7  }
0x10: {  	[smem:$0x3FAA] =	sst s8  }
0x11: {  	[smem:$0x3FAB] =	sst s9;
	s0 =	simm.s32 @!p0 $0x0  }
0x12: {  	s1 =	sld [smem:$0x3F91];
	s0 =	simm.s32 @p0 $0x1  }
0x13: {  	[smem:$0x3FAC] =	sst s0;
	s0 =	simm.s32 @!p1 $0x0  }
0x14: {  	s2 =	sld [smem:$0x3F90];
	s0 =	simm.s32 @p1 $0x1  }
0x15: {  	[smem:$0x3FAD] =	sst s0;
	s0 =	simm.s32 @!p2 $0x0  }
0x16: {  	s3 =	sld [smem:$0x3FDB];
	s0 =	simm.s32 @p2 $0x1  }
0x17: {  	s4 =	simm.s32 $0x1BF5;
	[smem:$0x3FAF] =	sst s0  }
0x18: {  	s0 =	sld [smem:$0x3F92];
	_ =	swait.ge [sflag:s4], $0x0  }
0x19: {  	s7 =	sld [smem:$0x3F93]  }
0x1a: {  	s8 =	sadd.s32 $0xFFFFE003, lr  }
0x1b: {  	s9 =	sadd.s32 $0xFFFFFEF7, lr;
	s5 =	simm.s32 $0xFFFFFFFF;
	p2 =	slt.u32 s8, $0xFFFFF086  }
0x1c: {  	p1 =	slt.u32 s9, $0xF7A;
	s5 =	simm.s32 @!p2 $0x0  }
0x1d: {  	s5 =	simm.s32 @p1 $0x1;
	p0 =	seq.s32 s7, s2  }
0x1e: {  	s7 =	smul.u32 @!p0 $0xF7A, s2;
	p2 =	seq.s32 @!p0 s5, $0x0  }
0x1f: {  	s9 =	smul.u32 $0xF7A, s1;
	s8 =	simm.s32 @!p0 $0x1BF5;
	p2 =	por !p2, p0  }
0x20: {  	[sflag:s8] =	ssyncset.s32 @!p0 $0xFFFFF086;
	s6 =	sadd.s32 @!p0 s3, s7;
	s7 =	simm.s32 @!p0 $0x108  }
0x21: {  	s3 =	sadd.s32 s3, s9;
	s6 =	sadd.s32 @!p0 $0x88, s6;
	s7 =	simm.s32 @p2 $0x1082  }
0x22: {  	[simem:s7], [sflag:s8] =	dma.local @!p0 [hbm:s6], $0xF7A  }
0x23: {  	s9 =	sor.u32 $0xD0000000, s2;
	s6 =	simm.s32 $0x108;
	_ =	swait.ge @!p0 [sflag:s8], $0x0  }
0x24: {  	s3 =	sadd.s32 $0x88, s3;
	s6 =	simm.s32 @!p1 $0x1082;
	[sflag:s4] =	ssyncset.s32 $0xFFFFF086  }
0x25: {  	[simem:s6], [sflag:s4] =	dma.local [hbm:s3], $0xF7A  }
0x26: {  	[smem:$0x3F93] =	sst s1;
	(tag) =	ssettag s2;
	_ =	strace s9  }
0x27: {  	s1 =	sld [smem:$0x3FA3]  }
0x28: {  	s2 =	sld [smem:$0x3FA4]  }
0x29: {  	s4 =	sld [smem:$0x3FA6]  }
0x2a: {  	p0 =	seq.s32 s5, $0x0;
	s5 =	sld [smem:$0x3FA7]  }
0x2b: {  	s6 =	sld [smem:$0x3FA8]  }
0x2c: {  	s7 =	sld [smem:$0x3FA9]  }
0x2d: {  	s3 =	simm.s32 $0x108;
	s8 =	sld [smem:$0x3FAA]  }
0x2e: {  	s3 =	simm.s32 @!p0 $0x1082;
	s9 =	sld [smem:$0x3FAB]  }
0x2f: {  	lr =	sadd.s32 s0, s3;
	s0 =	sld [smem:$0x3FA2]  }
0x30: {  	s3 =	sld [smem:$0x3FA5]  }
0x31: {  	[smem:$0x3FAE] =	sst s10  }
0x32: {  	s10 =	sld [smem:$0x3FAC];
	_ =	sdelay $0x3  }
0x33: {  	p0 =	seq.s32 s10, $0x1;
	s10 =	sld [smem:$0x3FAE];
	_ =	sdelay $0x3  }
0x34: {  	[smem:$0x3FAE] =	sst s10  }
0x35: {  	s10 =	sld [smem:$0x3FAD];
	_ =	sdelay $0x3  }
0x36: {  	p1 =	seq.s32 s10, $0x1;
	s10 =	sld [smem:$0x3FAE];
	_ =	sdelay $0x3  }
0x37: {  	[smem:$0x3FAE] =	sst s10  }
0x38: {  	s10 =	sld [smem:$0x3FAF]  }
0x39: {  	_ = 	snop;
	(pc) =	sbr.ind lr, $3  }
0x3a: {  	_ = 	snop  }
0x3b: {  	_ = 	snop  }
0x3c: {  	p2 =	seq.s32 s10, $0x1;
	s10 =	sld [smem:$0x3FAE]  }
0x3d: {  	_ =	shalt  }
0x3e: {  	_ =	shalt  }
0x3f: {  	_ =	shalt  }
0x40: {  	_ =	shalt  }
0x41: {  	_ =	shalt  }
0x42: {  	_ =	shalt  }
0x43: {  	_ =	shalt  }
0x44: {  	_ =	shalt  }
0x45: {  	_ =	shalt  }
0x46: {  	_ =	shalt  }
0x47: {  	_ =	shalt  }
0x48: {  	_ =	shalt  }
0x49: {  	_ =	shalt  }
0x4a: {  	_ =	shalt  }
0x4b: {  	_ =	shalt  }
0x4c: {  	_ =	shalt  }
0x4d: {  	_ =	shalt  }
0x4e: {  	_ =	shalt  }
0x4f: {  	_ =	shalt  }
0x50: {  	_ =	shalt  }
0x51: {  	_ =	shalt  }
0x52: {  	_ =	shalt  }
0x53: {  	_ =	shalt  }
0x54: {  	_ =	shalt  }
0x55: {  	_ =	shalt  }
0x56: {  	_ =	shalt  }
0x57: {  	_ =	shalt  }
0x58: {  	_ =	shalt  }
0x59: {  	_ =	shalt  }
0x5a: {  	_ =	shalt  }
0x5b: {  	_ =	shalt  }
0x5c: {  	_ =	shalt  }
0x5d: {  	_ =	shalt  }
0x5e: {  	_ =	shalt  }
0x5f: {  	_ =	shalt  }
0x60: {  	_ =	shalt  }
0x61: {  	_ =	shalt  }
0x62: {  	_ =	shalt  }
0x63: {  	_ =	shalt  }
0x64: {  	_ =	shalt  }
0x65: {  	_ =	shalt  }
0x66: {  	_ =	shalt  }
0x67: {  	_ =	shalt  }
0x68: {  	_ =	shalt  }
0x69: {  	_ =	shalt  }
0x6a: {  	_ =	shalt  }
0x6b: {  	_ =	shalt  }
0x6c: {  	_ =	shalt  }
0x6d: {  	_ =	shalt  }
0x6e: {  	_ =	shalt  }
0x6f: {  	_ =	shalt  }
0x70: {  	_ =	shalt  }
0x71: {  	_ =	shalt  }
0x72: {  	_ =	shalt  }
0x73: {  	_ =	shalt  }
0x74: {  	_ =	shalt  }
0x75: {  	_ =	shalt  }
0x76: {  	_ =	shalt  }
0x77: {  	_ =	shalt  }
0x78: {  	_ =	shalt  }
0x79: {  	_ =	shalt  }
0x7a: {  	_ =	shalt  }
0x7b: {  	_ =	shalt  }
0x7c: {  	_ =	shalt  }
0x7d: {  	_ =	shalt  }
0x7e: {  	_ =	shalt  }
0x7f: {  	_ =	shalt  }
0x80: {  	_ =	shalt  }
0x81: {  	_ =	shalt  }
0x82: {  	_ =	shalt  }
0x83: {  	_ =	shalt  }
0x84: {  	_ =	shalt  }
0x85: {  	_ =	shalt  }
0x86: {  	_ =	shalt  }
0x87: {  	_ =	shalt  }
.Lfunc_end0:
.L_simem_size_0:
called_computation_lowered:
.L_overlay_start_0:
0x88: {  	s2 =	sld [smem:$0x3FD9]  }
0x89: {  	s3 =	sld [smem:$0x3FFE];
	_ =	sdelay $0x1  }
0x8a: {  	s1 =	srdreg.scid  }
0x8b: {  	s0 =	sand.u32 $0x1, s1  }
0x8c: {  	s16 =	sshll.u32 s0, $0xA;
	s2 =	sadd.s32 s3, s2  }
0x8d: {  	s2 =	sadd.s32 s2, s16  }
0x8e: {  	[smem:$0x3FBA] =	sst s2  }
0x8f: {  	_ = 	snop  }
0x90: {  	(tm) =	ssettm $0x1  }
0x91: {  	s17 =	sld [smem:$0x3FFB];
	_ =	sdelay $0x3  }
0x92: {  	_ =	strace s17  }
0x93: {  	s2 =	sld [smem:$0x3FFC];
	_ =	sdelay $0x3  }
0x94: {  	_ =	strace s2  }
0x95: {  	s2 =	sld [smem:$0x3FFD];
	_ =	sdelay $0x3  }
0x96: {  	_ =	strace s2  }
0x97: {  	_ =	strace $0x8FFFFFFF  }
0x98: {  	s18 =	sld [smem:$0x3FDB];
	_ =	sdelay $0x1  }
0x99: {  	s19 =	simm.s32 $_scs_section_size  }
0x9a: {  	s4 =	simm.s32 $_size__tile_overlayer_lowered;
	s5 =	simm.s32 $_tile_overlayer_lowered  }
0x9b: {  	s22 =	simm.s32 $0x1BFF;
	s21 =	sshll.u32 s5, $0x1;
	s2 =	sadd.s32 s19, s18  }
0x9c: {  	s6 =	simm.s32 $0x0;
	s20 =	sshll.u32 s4, $0x1;
	s4 =	sadd.s32 s21, s2  }
0x9d: {  	[timem:s6], [sflag:s22] =	dma.local [hbm:s4], s20  }
0x9e: {  	_ =	swait.ge [sflag:s22], s20  }
0x9f: {  	s3 =	ssub.s32 $0x0, s20;
	[sflag:s22] =	ssyncset.done $0x0  }
0xa0: {  	[sflag:s22] =	ssyncadd.s32 s3;
	_ =	sdelay $0x1  }
0xa1: {  	s23 =	simm.s32 $0x1B8B  }
0xa2: {  	_ =	swait.ge [sflag:s23], $0x1  }
0xa3: {  	[sflag:s23] =	ssyncset.done $0x0  }
0xa4: {  	s25 =	simm.s32 $0x1B8E;
	s24 =	sld [smem:$0x3FFE];
	[sflag:s23] =	ssyncadd.s32 $0xFFFFFFFF  }
0xa5: {  	s26 =	simm.s32 $execute0_lowered;
	[smem:$0x3FD2] =	sst s25  }
0xa6: {  	s4 =	sshll.u32 s26, $0x1;
	_ =	strace $0x80000046;
	[dreg:$0x1] =	wrdreg $0xFFFFFFFF  }
0xa7: {  	s28 =	simm.s32 $_size_execute0_lowered;
	s2 =	sadd.s32 s2, s4;
	[dreg:$0x0] =	wrdreg $0x0  }
0xa8: {  	s4 =	sshll.u32 s28, $0x1;
	[dreg:$0x2] =	wrdreg s2  }
0xa9: {  	[dreg:$0x3] =	wrdreg s4  }
0xaa: {  	[dreg:$0x4] =	wrdreg $0xC0  }
0xab: {  	_ =	task [dreg:s6], $0x5FFFF  }
0xac: {  	[dreg:$0x1] =	wrdreg $0xFFFFFFFF  }
0xad: {  	[dreg:$0x0] =	wrdreg $0x60  }
0xae: {  	[dreg:$0x2] =	wrdreg s24  }
0xaf: {  	[dreg:$0x3] =	wrdreg $0x9  }
0xb0: {  	_ =	task.clear_ibuf [dreg:s6], $0x4FFFF;
	_ =	strace $0x90000046  }
0xb1: {  	s29 =	simm.s32 $0x9;
	_ =	strace $0x80000048  }
0xb2: {  	_ =	swait.ge [sflag:s29], $0x1  }
0xb3: {  	[sflag:s29] =	ssyncadd.s32 $0xFFFFFFFF  }
0xb4: {  	_ =	strace $0x90000048  }
0xb5: {  	_ =	sfence  }
0xb6: {  	s30 =	sld [smem:$0x0];
	_ =	sdelay $0x2  }
0xb7: {  	s31 =	sshll.u32 s1, $0xD;
	s1 =	sshrl.u32 s1, $0x2  }
0xb8: {  	s3 =	sand.u32 $0x4000, s31;
	s1 =	sadd.s32 s1, s30  }
0xb9: {  	s0 =	sor.u32 s3, s0;
	s1 =	sshll.u32 s1, $0x11  }
0xba: {  	s0 =	sor.u32 s1, s0  }
0xbb: {  	s0 =	sadd.s32 $0x8F2B, s0  }
0xbc: {  	[sflag:s0] =	ssyncadd.remote.s32 $0x1  }
0xbd: {  	_ =	sfence.sel $0xFFFF  }
0xbe: {  	[dreg:$0x0] =	wrdreg $0xFFFFFFFF;
	(pc) =	sbr.abs _section_cstart, $3  }
0xbf: {  	[dreg:$0x1] =	wrdreg $0xFFFFFFFF  }
0xc0: {  	_ =	task.clear_ibuf [dreg:s6], $0x2FFFF;
	_ =	strace $0x9FFFFFFF  }
0xc1: {  	(tm) =	ssettm $0x7FFFFFFF  }
tec
execute0_lowered:
.L_overlay_start_1:
0x0: {  	(tag) =	ssettag $0x1  }
0x1: {  	s5 =	rddreg [dreg:$0x0]  }
0x2: {  	s0 =	rddreg [dreg:$0x1]  }
0x3: {  	s3 =	srdreg.scid;
	s1 =	stileid.u32;
	s2 =	simm.s32 $0x0  }
0x4: {  	s13 =	simm.s32 $0x80;
	s14 =	simm.s32 $0x400;
	s15 =	simm.s32 $0x200  }
0x5: {  	s16 =	simm.s32 $0x8400;
	s17 =	simm.s32 $0x4400;
	s18 =	simm.s32 $0x280  }
0x6: {  	s19 =	simm.s32 $0xC400;
	s20 =	simm.s32 $0x1;
	s21 =	simm.s32 $0x2  }
0x7: {  	s22 =	simm.s32 $0x100;
	s23 =	simm.s32 $0x300;
	s24 =	simm.s32 $0x180  }
0x8: {  	s25 =	simm.s32 $0x380;
	s26 =	simm.s32 $0x10400;
	s6 =	sand.u32 $0x1, s3  }
0x9: {  	s31 =	sshll.u32 s1, $0x1;
	[smem:$0x7FF] =	sst s2;
	s4 =	sadd.s32 $0x2600, s5  }
0xa: {  	s10 =	sshll.u32 s1, $0x7;
	s7 =	sor.u32 s6, s31;
	_ =	strace $0x80000047  }
0xb: {  	s6 =	ssub.s32 $0x2, s6;
	s10 =	sand.u32 $0x600, s10;
	s3 =	sshll.u32 s7, $0x6  }
0xc: {  	v0 =	vlaneseq.u32;
	s9 =	sshll.u32 s7, $0xD;
	s11 =	sshrl.u32 s6, $0x1;
	s10 =	sadd.s32 s10, s5  }
0xd: {  	v0 =	vmul.u32 $0x80, v0;
	s7 =	sshll.u32 s7, $0x4;
	s8 =	sadd.s32 s3, s5;
	s3 =	sadd.s32 $0x61C600, s5  }
0xe: {  	s9 =	sadd.s32 s9, s5;
	s11 =	ssub.s32 s6, s11;
	s12 =	sand.u32 $0x70, s7  }
0xf: {  	v1 =	vor.u32 $0x800, v0;
	s5 =	sadd.s32 $0x1E00, s8;
	s6 =	sadd.s32 $0xF200, s9;
	s7 =	sadd.s32 $0xFA00, s9  }
0x10: {  	v2 =	vor.u32 $0x1000, v0;
	v3 =	vor.u32 $0x1800, v0;
	v4 =	vor.u32 $0x2000, v0;
	s8 =	sadd.s32 $0x10200, s9;
	s10 =	sadd.s32 s12, s10;
	s9 =	sadd.s32 $0x10A00, s9  }
0x11: {  	v5 =	vor.u32 $0x2800, v0;
	v6 =	vor.u32 $0x3000, v0;
	v7 =	vor.u32 $0x3800, v0;
	s11 =	smax.u32 s11, $0x1;
	s12 =	simm.s32 $0x3;
	s10 =	sadd.s32 $0xEA00, s10  }
.LBB2_1:
0x12: {  	[tilespmem:s2], [sflag:$0x3] =	stream.linear.gather [hbm4b:s5+s2], $0x200, $0x38;
	[tilespmem:$0x10600] =	vst v63  }
0x13: {  	_ =	swait.ge [sflag:s12], $0x200  }
0x14: {  	[sflag:s12] =	ssyncset.done $0x0  }
0x15: {  	[sflag:s12] =	ssyncadd.s32 $0xFFFFFE00  }
0x16: {  	v8 =	vld [tilespmem:$0x0]  }
0x17: {  	v9 =	vld [tilespmem:$0x10]  }
0x18: {  	v10 =	vld [tilespmem:$0x20]  }
0x19: {  	v11 =	vld [tilespmem:$0x30]  }
0x1a: {  	v12 =	vld [tilespmem:$0x40]  }
0x1b: {  	v13 =	vld [tilespmem:$0x50];
	v8 =	vshrl.u32 v8, $0x7  }
0x1c: {  	v38 =	vld [tilespmem:$0x60];
	[tilespmem:$0x200] =	vst v8;
	v8 =	vshrl.u32 v9, $0x7  }
0x1d: {  	v39 =	vld [tilespmem:$0x70];
	[tilespmem:$0x210] =	vst v8;
	v8 =	vshrl.u32 v10, $0x7  }
0x1e: {  	v40 =	vld [tilespmem:$0x80];
	[tilespmem:$0x220] =	vst v8;
	v8 =	vshrl.u32 v11, $0x7  }
0x1f: {  	v41 =	vld [tilespmem:$0x90];
	[tilespmem:$0x230] =	vst v8;
	v8 =	vshrl.u32 v12, $0x7  }
0x20: {  	v42 =	vld [tilespmem:$0xA0];
	[tilespmem:$0x240] =	vst v8;
	v8 =	vshrl.u32 v13, $0x7  }
0x21: {  	v43 =	vld [tilespmem:$0xB0];
	[tilespmem:$0x250] =	vst v8;
	v8 =	vshrl.u32 v38, $0x7  }
0x22: {  	v44 =	vld [tilespmem:$0xC0];
	[tilespmem:$0x260] =	vst v8;
	v8 =	vshrl.u32 v39, $0x7  }
0x23: {  	v45 =	vld [tilespmem:$0xD0];
	[tilespmem:$0x270] =	vst v8;
	v8 =	vshrl.u32 v40, $0x7  }
0x24: {  	v46 =	vld [tilespmem:$0xE0];
	[tilespmem:$0x280] =	vst v8;
	v8 =	vshrl.u32 v41, $0x7  }
0x25: {  	v47 =	vld [tilespmem:$0xF0];
	[tilespmem:$0x290] =	vst v8;
	v8 =	vshrl.u32 v42, $0x7  }
0x26: {  	v48 =	vld [tilespmem:$0x100];
	[tilespmem:$0x2A0] =	vst v8;
	v8 =	vshrl.u32 v43, $0x7  }
0x27: {  	v49 =	vld [tilespmem:$0x110];
	[tilespmem:$0x2B0] =	vst v8;
	v8 =	vshrl.u32 v44, $0x7  }
0x28: {  	v50 =	vld [tilespmem:$0x120];
	[tilespmem:$0x2C0] =	vst v8;
	v8 =	vshrl.u32 v45, $0x7  }
0x29: {  	v51 =	vld [tilespmem:$0x130];
	[tilespmem:$0x2D0] =	vst v8;
	v8 =	vshrl.u32 v46, $0x7  }
0x2a: {  	v52 =	vld [tilespmem:$0x140];
	[tilespmem:$0x2E0] =	vst v8;
	v8 =	vshrl.u32 v47, $0x7  }
0x2b: {  	v53 =	vld [tilespmem:$0x150];
	[tilespmem:$0x2F0] =	vst v8;
	v8 =	vshrl.u32 v48, $0x7  }
0x2c: {  	v54 =	vld [tilespmem:$0x160];
	[tilespmem:$0x300] =	vst v8;
	v8 =	vshrl.u32 v49, $0x7  }
0x2d: {  	v55 =	vld [tilespmem:$0x170];
	[tilespmem:$0x310] =	vst v8;
	v8 =	vshrl.u32 v50, $0x7  }
0x2e: {  	v56 =	vld [tilespmem:$0x180];
	[tilespmem:$0x320] =	vst v8;
	v8 =	vshrl.u32 v51, $0x7  }
0x2f: {  	v57 =	vld [tilespmem:$0x190];
	[tilespmem:$0x330] =	vst v8;
	v8 =	vshrl.u32 v52, $0x7  }
0x30: {  	v58 =	vld [tilespmem:$0x1A0];
	[tilespmem:$0x340] =	vst v8;
	v8 =	vshrl.u32 v53, $0x7  }
0x31: {  	v59 =	vld [tilespmem:$0x1B0];
	[tilespmem:$0x350] =	vst v8;
	v8 =	vshrl.u32 v54, $0x7  }
0x32: {  	v60 =	vld [tilespmem:$0x1C0];
	[tilespmem:$0x360] =	vst v8;
	v8 =	vshrl.u32 v55, $0x7  }
0x33: {  	v61 =	vld [tilespmem:$0x1D0];
	[tilespmem:$0x370] =	vst v8;
	v8 =	vshrl.u32 v56, $0x7  }
0x34: {  	v62 =	vld [tilespmem:$0x1E0];
	[tilespmem:$0x380] =	vst v8;
	v8 =	vshrl.u32 v57, $0x7  }
0x35: {  	v63 =	vld [tilespmem:$0x1F0];
	[tilespmem:$0x390] =	vst v8;
	v8 =	vshrl.u32 v58, $0x7  }
0x36: {  	[tilespmem:$0x3A0] =	vst v8;
	v8 =	vshrl.u32 v59, $0x7  }
0x37: {  	[tilespmem:$0x3B0] =	vst v8;
	v8 =	vshrl.u32 v60, $0x7  }
0x38: {  	[tilespmem:$0x3C0] =	vst v8;
	v8 =	vshrl.u32 v61, $0x7  }
0x39: {  	[tilespmem:$0x3D0] =	vst v8;
	v8 =	vshrl.u32 v62, $0x7  }
0x3a: {  	[tilespmem:$0x3E0] =	vst v8;
	v8 =	vshrl.u32 v63, $0x7  }
0x3b: {  	[tilespmem:$0x3F0] =	vst v8  }
0x3c: {  	[tilespmem:s14], [sflag:$0x1] =	stream.indirect.gather [hbm4b:s3+s13], $0x80, s2, s13, $0xb8;
	[tilespmem:$0x10600] =	vst v63  }
0x3d: {  	_ = 	snop  }
0x3e: {  	[tilespmem:s16], [sflag:$0x2] =	stream.indirect.gather [hbm4b:s4+s13], $0x80, s15, s13, $0xb8;
	[tilespmem:$0x10600] =	vst v63  }
0x3f: {  	_ = 	snop  }
0x40: {  	[tilespmem:s17], [sflag:$0x1] =	stream.indirect.gather [hbm4b:s3+s13], $0x80, s13, s13, $0xb8;
	[tilespmem:$0x10600] =	vst v63  }
0x41: {  	_ = 	snop  }
0x42: {  	[tilespmem:s19], [sflag:$0x2] =	stream.indirect.gather [hbm4b:s4+s13], $0x80, s18, s13, $0xb8;
	[tilespmem:$0x10600] =	vst v63  }
0x43: {  	_ =	swait.ge [sflag:s20], $0x4000  }
0x44: {  	[sflag:s20] =	ssyncset.done $0x0  }
0x45: {  	[sflag:s20] =	ssyncadd.s32 $0xFFFFC000  }
0x46: {  	_ =	swait.ge [sflag:s21], $0x4000  }
0x47: {  	[sflag:s21] =	ssyncset.done $0x0  }
0x48: {  	[sflag:s21] =	ssyncadd.s32 $0xFFFFC000  }
0x49: {  	v8 =	vld [tilespmem:$0x0];
	_ =	sdelay $0x4  }
0x4a: {  	v8 =	vand.u32 $0x7F, v8  }
0x4b: {  	v12 =	vld [tilespmem:$0x10];
	v8 =	vor.u32 v0, v8;
	_ =	sdelay $0x4  }
0x4c: {  	v9 =	vand.u32 $0x7F, v12;
	v8 =	vld.idx.msk [tilespmem:v8+s16+$0x0], $0xffff  }
0x4d: {  	v13 =	vld [tilespmem:$0x20];
	v9 =	vor.u32 v1, v9;
	_ =	sdelay $0x3  }
0x4e: {  	[tilespmem:$0x10400] =	vst v8  }
0x4f: {  	v14 =	vand.u32 $0x7F, v13;
	v8 =	vld.idx.msk [tilespmem:v9+s16+$0x0], $0xffff  }
0x50: {  	v15 =	vld [tilespmem:$0x30];
	v9 =	vor.u32 v2, v14;
	_ =	sdelay $0x3  }
0x51: {  	[tilespmem:$0x10410] =	vst v8  }
0x52: {  	v16 =	vand.u32 $0x7F, v15;
	v8 =	vld.idx.msk [tilespmem:v9+s16+$0x0], $0xffff  }
0x53: {  	v17 =	vld [tilespmem:$0x40];
	v9 =	vor.u32 v3, v16;
	_ =	sdelay $0x3  }
0x54: {  	[tilespmem:$0x10420] =	vst v8  }
0x55: {  	v18 =	vand.u32 $0x7F, v17;
	v8 =	vld.idx.msk [tilespmem:v9+s16+$0x0], $0xffff  }
0x56: {  	v19 =	vld [tilespmem:$0x50];
	v9 =	vor.u32 v4, v18;
	_ =	sdelay $0x3  }
0x57: {  	[tilespmem:$0x10430] =	vst v8  }
0x58: {  	v20 =	vand.u32 $0x7F, v19;
	v8 =	vld.idx.msk [tilespmem:v9+s16+$0x0], $0xffff  }
0x59: {  	v21 =	vld [tilespmem:$0x60];
	v9 =	vor.u32 v5, v20;
	_ =	sdelay $0x3  }
0x5a: {  	[tilespmem:$0x10440] =	vst v8  }
0x5b: {  	v22 =	vand.u32 $0x7F, v21;
	v8 =	vld.idx.msk [tilespmem:v9+s16+$0x0], $0xffff  }
0x5c: {  	v23 =	vld [tilespmem:$0x70];
	v9 =	vor.u32 v6, v22;
	_ =	sdelay $0x3  }
0x5d: {  	[tilespmem:$0x10450] =	vst v8  }
0x5e: {  	v24 =	vand.u32 $0x7F, v23;
	v8 =	vld.idx.msk [tilespmem:v9+s16+$0x0], $0xffff  }
0x5f: {  	v9 =	vor.u32 v7, v24;
	_ =	sdelay $0x3  }
0x60: {  	[tilespmem:$0x10460] =	vst v8  }
0x61: {  	v8 =	vld.idx.msk [tilespmem:v9+s16+$0x0], $0xffff;
	_ =	sdelay $0x4  }
0x62: {  	[tilespmem:$0x10470] =	vst v8  }
0x63: {  	[hbm4b:s6+s2] =	stream.linear.scatter [tilespmem:s14], [sflag:$0x3], $0x4000, $0x38;
	[tilespmem:$0x10600] =	vst v63  }
0x64: {  	_ =	swait.ge [sflag:s12], $0x4000  }
0x65: {  	[sflag:s12] =	ssyncset.done $0x0  }
0x66: {  	[sflag:s12] =	ssyncadd.s32 $0xFFFFC000  }
0x67: {  	[tilespmem:s14], [sflag:$0x1] =	stream.indirect.gather [hbm4b:s3+s13], $0x80, s22, s13, $0xb8;
	[tilespmem:$0x10600] =	vst v63  }
0x68: {  	_ = 	snop  }
0x69: {  	[tilespmem:s16], [sflag:$0x2] =	stream.indirect.gather [hbm4b:s4+s13], $0x80, s23, s13, $0xb8;
	[tilespmem:$0x10600] =	vst v63  }
0x6a: {  	_ =	swait.ge [sflag:s20], $0x4000  }
0x6b: {  	[sflag:s20] =	ssyncset.done $0x0  }
0x6c: {  	[sflag:s20] =	ssyncadd.s32 $0xFFFFC000  }
0x6d: {  	_ =	swait.ge [sflag:s21], $0x4000  }
0x6e: {  	[sflag:s21] =	ssyncset.done $0x0  }
0x6f: {  	[sflag:s21] =	ssyncadd.s32 $0xFFFFC000  }
0x70: {  	v8 =	vld [tilespmem:$0x80];
	_ =	sdelay $0x4  }
0x71: {  	v8 =	vand.u32 $0x7F, v8  }
0x72: {  	v25 =	vld [tilespmem:$0x90];
	v8 =	vor.u32 v0, v8;
	_ =	sdelay $0x4  }
0x73: {  	v9 =	vand.u32 $0x7F, v25;
	v8 =	vld.idx.msk [tilespmem:v8+s19+$0x0], $0xffff  }
0x74: {  	v26 =	vld [tilespmem:$0xA0];
	v9 =	vor.u32 v1, v9;
	_ =	sdelay $0x3  }
0x75: {  	[tilespmem:$0x10480] =	vst v8  }
0x76: {  	v27 =	vand.u32 $0x7F, v26;
	v8 =	vld.idx.msk [tilespmem:v9+s19+$0x0], $0xffff  }
0x77: {  	v28 =	vld [tilespmem:$0xB0];
	v9 =	vor.u32 v2, v27;
	_ =	sdelay $0x3  }
0x78: {  	[tilespmem:$0x10490] =	vst v8  }
0x79: {  	v29 =	vand.u32 $0x7F, v28;
	v8 =	vld.idx.msk [tilespmem:v9+s19+$0x0], $0xffff  }
0x7a: {  	v30 =	vld [tilespmem:$0xC0];
	v9 =	vor.u32 v3, v29;
	_ =	sdelay $0x3  }
0x7b: {  	[tilespmem:$0x104A0] =	vst v8  }
0x7c: {  	v31 =	vand.u32 $0x7F, v30;
	v8 =	vld.idx.msk [tilespmem:v9+s19+$0x0], $0xffff  }
0x7d: {  	v32 =	vld [tilespmem:$0xD0];
	v9 =	vor.u32 v4, v31;
	_ =	sdelay $0x3  }
0x7e: {  	[tilespmem:$0x104B0] =	vst v8  }
0x7f: {  	v33 =	vand.u32 $0x7F, v32;
	v8 =	vld.idx.msk [tilespmem:v9+s19+$0x0], $0xffff  }
0x80: {  	v34 =	vld [tilespmem:$0xE0];
	v9 =	vor.u32 v5, v33;
	_ =	sdelay $0x3  }
0x81: {  	[tilespmem:$0x104C0] =	vst v8  }
0x82: {  	v35 =	vand.u32 $0x7F, v34;
	v8 =	vld.idx.msk [tilespmem:v9+s19+$0x0], $0xffff  }
0x83: {  	v36 =	vld [tilespmem:$0xF0];
	v9 =	vor.u32 v6, v35;
	_ =	sdelay $0x3  }
0x84: {  	[tilespmem:$0x104D0] =	vst v8  }
0x85: {  	v37 =	vand.u32 $0x7F, v36;
	v8 =	vld.idx.msk [tilespmem:v9+s19+$0x0], $0xffff  }
0x86: {  	v9 =	vor.u32 v7, v37;
	_ =	sdelay $0x3  }
0x87: {  	[tilespmem:$0x104E0] =	vst v8  }
0x88: {  	v8 =	vld.idx.msk [tilespmem:v9+s19+$0x0], $0xffff;
	_ =	sdelay $0x4  }
0x89: {  	[tilespmem:$0x104F0] =	vst v8  }
0x8a: {  	[hbm4b:s7+s2] =	stream.linear.scatter [tilespmem:s17], [sflag:$0x3], $0x4000, $0x38;
	[tilespmem:$0x10600] =	vst v63  }
0x8b: {  	_ =	swait.ge [sflag:s12], $0x4000  }
0x8c: {  	[sflag:s12] =	ssyncset.done $0x0  }
0x8d: {  	[sflag:s12] =	ssyncadd.s32 $0xFFFFC000  }
0x8e: {  	[tilespmem:s17], [sflag:$0x1] =	stream.indirect.gather [hbm4b:s3+s13], $0x80, s24, s13, $0xb8;
	[tilespmem:$0x10600] =	vst v63  }
0x8f: {  	_ = 	snop  }
0x90: {  	[tilespmem:s19], [sflag:$0x2] =	stream.indirect.gather [hbm4b:s4+s13], $0x80, s25, s13, $0xb8;
	[tilespmem:$0x10600] =	vst v63  }
0x91: {  	_ =	swait.ge [sflag:s20], $0x4000  }
0x92: {  	[sflag:s20] =	ssyncset.done $0x0  }
0x93: {  	[sflag:s20] =	ssyncadd.s32 $0xFFFFC000  }
0x94: {  	_ =	swait.ge [sflag:s21], $0x4000  }
0x95: {  	[sflag:s21] =	ssyncset.done $0x0  }
0x96: {  	[sflag:s21] =	ssyncadd.s32 $0xFFFFC000  }
0x97: {  	v8 =	vld [tilespmem:$0x100];
	_ =	sdelay $0x4  }
0x98: {  	v8 =	vand.u32 $0x7F, v8  }
0x99: {  	v38 =	vld [tilespmem:$0x110];
	v8 =	vor.u32 v0, v8;
	_ =	sdelay $0x4  }
0x9a: {  	v9 =	vand.u32 $0x7F, v38;
	v8 =	vld.idx.msk [tilespmem:v8+s16+$0x0], $0xffff  }
0x9b: {  	v39 =	vld [tilespmem:$0x120];
	v9 =	vor.u32 v1, v9;
	_ =	sdelay $0x3  }
0x9c: {  	[tilespmem:$0x10500] =	vst v8  }
0x9d: {  	v40 =	vand.u32 $0x7F, v39;
	v8 =	vld.idx.msk [tilespmem:v9+s16+$0x0], $0xffff  }
0x9e: {  	v41 =	vld [tilespmem:$0x130];
	v9 =	vor.u32 v2, v40;
	_ =	sdelay $0x3  }
0x9f: {  	[tilespmem:$0x10510] =	vst v8  }
0xa0: {  	v42 =	vand.u32 $0x7F, v41;
	v8 =	vld.idx.msk [tilespmem:v9+s16+$0x0], $0xffff  }
0xa1: {  	v43 =	vld [tilespmem:$0x140];
	v9 =	vor.u32 v3, v42;
	_ =	sdelay $0x3  }
0xa2: {  	[tilespmem:$0x10520] =	vst v8  }
0xa3: {  	v44 =	vand.u32 $0x7F, v43;
	v8 =	vld.idx.msk [tilespmem:v9+s16+$0x0], $0xffff  }
0xa4: {  	v45 =	vld [tilespmem:$0x150];
	v9 =	vor.u32 v4, v44;
	_ =	sdelay $0x3  }
0xa5: {  	[tilespmem:$0x10530] =	vst v8  }
0xa6: {  	v46 =	vand.u32 $0x7F, v45;
	v8 =	vld.idx.msk [tilespmem:v9+s16+$0x0], $0xffff  }
0xa7: {  	v47 =	vld [tilespmem:$0x160];
	v9 =	vor.u32 v5, v46;
	_ =	sdelay $0x3  }
0xa8: {  	[tilespmem:$0x10540] =	vst v8  }
0xa9: {  	v48 =	vand.u32 $0x7F, v47;
	v8 =	vld.idx.msk [tilespmem:v9+s16+$0x0], $0xffff  }
0xaa: {  	v49 =	vld [tilespmem:$0x170];
	v9 =	vor.u32 v6, v48;
	_ =	sdelay $0x3  }
0xab: {  	[tilespmem:$0x10550] =	vst v8  }
0xac: {  	v50 =	vand.u32 $0x7F, v49;
	v8 =	vld.idx.msk [tilespmem:v9+s16+$0x0], $0xffff  }
0xad: {  	v9 =	vor.u32 v7, v50;
	_ =	sdelay $0x3  }
0xae: {  	[tilespmem:$0x10560] =	vst v8  }
0xaf: {  	v8 =	vld.idx.msk [tilespmem:v9+s16+$0x0], $0xffff;
	_ =	sdelay $0x4  }
0xb0: {  	[tilespmem:$0x10570] =	vst v8  }
0xb1: {  	[hbm4b:s8+s2] =	stream.linear.scatter [tilespmem:s14], [sflag:$0x3], $0x4000, $0x38;
	[tilespmem:$0x10600] =	vst v63  }
0xb2: {  	_ =	swait.ge [sflag:s12], $0x4000  }
0xb3: {  	[sflag:s12] =	ssyncset.done $0x0  }
0xb4: {  	[sflag:s12] =	ssyncadd.s32 $0xFFFFC000  }
0xb5: {  	_ =	swait.ge [sflag:s20], $0x4000  }
0xb6: {  	[sflag:s20] =	ssyncset.done $0x0  }
0xb7: {  	[sflag:s20] =	ssyncadd.s32 $0xFFFFC000  }
0xb8: {  	_ =	swait.ge [sflag:s21], $0x4000  }
0xb9: {  	[sflag:s21] =	ssyncset.done $0x0  }
0xba: {  	[sflag:s21] =	ssyncadd.s32 $0xFFFFC000  }
0xbb: {  	v8 =	vld [tilespmem:$0x180];
	_ =	sdelay $0x4  }
0xbc: {  	v8 =	vand.u32 $0x7F, v8  }
0xbd: {  	v51 =	vld [tilespmem:$0x190];
	v8 =	vor.u32 v0, v8;
	_ =	sdelay $0x4  }
0xbe: {  	v9 =	vand.u32 $0x7F, v51;
	v8 =	vld.idx.msk [tilespmem:v8+s19+$0x0], $0xffff  }
0xbf: {  	v52 =	vld [tilespmem:$0x1A0];
	v9 =	vor.u32 v1, v9;
	_ =	sdelay $0x3  }
0xc0: {  	[tilespmem:$0x10580] =	vst v8  }
0xc1: {  	v53 =	vand.u32 $0x7F, v52;
	v8 =	vld.idx.msk [tilespmem:v9+s19+$0x0], $0xffff  }
0xc2: {  	v54 =	vld [tilespmem:$0x1B0];
	v9 =	vor.u32 v2, v53;
	_ =	sdelay $0x3  }
0xc3: {  	[tilespmem:$0x10590] =	vst v8  }
0xc4: {  	v55 =	vand.u32 $0x7F, v54;
	v8 =	vld.idx.msk [tilespmem:v9+s19+$0x0], $0xffff  }
0xc5: {  	v56 =	vld [tilespmem:$0x1C0];
	v9 =	vor.u32 v3, v55;
	_ =	sdelay $0x3  }
0xc6: {  	[tilespmem:$0x105A0] =	vst v8  }
0xc7: {  	v57 =	vand.u32 $0x7F, v56;
	v8 =	vld.idx.msk [tilespmem:v9+s19+$0x0], $0xffff  }
0xc8: {  	v58 =	vld [tilespmem:$0x1D0];
	v9 =	vor.u32 v4, v57;
	_ =	sdelay $0x3  }
0xc9: {  	[tilespmem:$0x105B0] =	vst v8  }
0xca: {  	v59 =	vand.u32 $0x7F, v58;
	v8 =	vld.idx.msk [tilespmem:v9+s19+$0x0], $0xffff  }
0xcb: {  	v60 =	vld [tilespmem:$0x1E0];
	v9 =	vor.u32 v5, v59;
	_ =	sdelay $0x3  }
0xcc: {  	[tilespmem:$0x105C0] =	vst v8  }
0xcd: {  	v61 =	vand.u32 $0x7F, v60;
	v8 =	vld.idx.msk [tilespmem:v9+s19+$0x0], $0xffff  }
0xce: {  	v62 =	vld [tilespmem:$0x1F0];
	v9 =	vor.u32 v6, v61;
	_ =	sdelay $0x3  }
0xcf: {  	[tilespmem:$0x105D0] =	vst v8  }
0xd0: {  	v63 =	vand.u32 $0x7F, v62;
	v8 =	vld.idx.msk [tilespmem:v9+s19+$0x0], $0xffff  }
0xd1: {  	v9 =	vor.u32 v7, v63;
	_ =	sdelay $0x3  }
0xd2: {  	[tilespmem:$0x105E0] =	vst v8  }
0xd3: {  	v8 =	vld.idx.msk [tilespmem:v9+s19+$0x0], $0xffff;
	_ =	sdelay $0x4  }
0xd4: {  	[tilespmem:$0x105F0] =	vst v8  }
0xd5: {  	[hbm4b:s9+s2] =	stream.linear.scatter [tilespmem:s17], [sflag:$0x3], $0x4000, $0x38;
	[tilespmem:$0x10600] =	vst v63  }
0xd6: {  	_ =	swait.ge [sflag:s12], $0x4000  }
0xd7: {  	p0 =	sne.s32 s11, $0x1;
	[sflag:s12] =	ssyncset.done $0x0  }
.Ltmp0:
0xd8: {  	[sflag:s12] =	ssyncadd.s32 $0xFFFFC000;
	(pc) =	sbr.rel @p0 .LBB2_1-.Ltmp0, $4  }
0xd9: {  	[hbm4b:s10+s13] =	stream.strided.scatter [tilespmem:s26], [sflag:$0x3], $0x200, s14, s13, $0x38;
	[tilespmem:$0x10600] =	vst v63  }
0xda: {  	_ =	swait.ge [sflag:s12], $0x200  }
0xdb: {  	[sflag:s12] =	ssyncset.done $0x0  }
0xdc: {  	s11 =	sadd.s32 $0xFFFFFFFF, s11;
	[sflag:s12] =	ssyncadd.s32 $0xFFFFFE00  }
0xdd: {  	_ =	sfence.sel $0x180000  }
0xde: {  	[bflag:$0x0] =	sbarrier.arrive $0xFFFF  }
0xdf: {  	p0 =	sne.s32 s1, $0x0;
	_ =	strace $0x90000047  }
0xe0: {  	s0 =	sadd.s32 @!p0 $0x100000, s0;
	[bflag:$0x2] =	sbarrier.arrive $0xFFFF  }
0xe1: {  	[sflag:s0] =	ssyncadd.tile.s32 @!p0 $0x1;
	_ =	shalt  }
.Lfunc_end2:
_tile_overlayer_lowered:
.L_overlay_start_2:
0xe2: {  	(tag) =	ssettag $0x2  }
0xe3: {  	s0 =	rddreg [dreg:$0x0];
	s2 =	stileid.u32  }
0xe4: {  	s1 =	rddreg [dreg:$0x1];
	p0 =	sne.s32 s2, $0x0  }
0xe5: {  	s3 =	rddreg [dreg:$0x2];
	[bflag:$0x3] =	sbarrier.arrive $0xFFFF;
	s2 =	simm.s32 @!p0 $0x1C03  }
0xe6: {  	[timem:s3], [sflag:s2] =	dma.local @!p0 [hbm:s0], s1  }
0xe7: {  	s0 =	simm.s32 @!p0 $0x3  }
0xe8: {  	_ =	swait.ge @!p0 [sflag:s0], s1  }
0xe9: {  	s1 =	ssub.s32 @!p0 $0x0, s1;
	[sflag:s0] =	ssyncset.done @!p0 $0x0  }
0xea: {  	[sflag:s0] =	ssyncadd.s32 @!p0 s1  }
0xeb: {  	[bflag:$0x3] =	sbarrier.arrive $0xFFFF  }
0xec: {  	_ =	shalt  }

</sc_bundles>
